<compile_context>
chip_gen: v7x
topology: tpu7x:2x2x1
jax: 0.10.2.dev20260603
libtpu: 0.0.44.dev20260713+nightly
codegen_flags: <defaults>
</compile_context>

<pallas_src>
import functools

import jax
import jax.numpy as jnp
from jax import lax
from jax.experimental import pallas as pl
from jax.experimental.pallas import tpu as pltpu
from jax.experimental.pallas import tpu_sc as plsc

NC, NS = 2, 16
NW = NC * NS
K = 80


def _deg_kernel_body(N_pad, n_chunks, ei_hbm, out_hbm, dst_v, ones_v, zero_v,
                     deg_sh, sem, sem_b):
    c = lax.axis_index("c")
    sid = lax.axis_index("s")
    wid = c * NS + sid

    if True:
        pltpu.async_copy(ei_hbm.at[NW + wid], dst_v, sem).wait()
        zchunk = N_pad // NS

        def zbody(i, carry):
            zero_v[pl.ds(i * 16, 16)] = jnp.zeros((16,), jnp.float32)
            return carry

        lax.fori_loop(0, zchunk // 16, zbody, 0, unroll=8)
        pltpu.sync_copy(zero_v, deg_sh.at[pl.ds(sid * zchunk, zchunk)])
        for i in range(K // 16):
            ones_v[pl.ds(i * 16, 16)] = jnp.ones((16,), jnp.float32)
        plsc.subcore_barrier()

        def s_start(j, sem):
            pltpu.async_copy(ones_v, deg_sh.at[dst_v.at[j]], sem, add=True)

        def s_wait(sem):
            pltpu.make_async_copy(ones_v, deg_sh.at[dst_v.at[0]], sem).wait()

        s_start(0, sem)

        def body(i, carry):
            j = 2 * i + 1
            s_start(j, sem_b)
            s_wait(sem)
            s_start(j + 1, sem)
            s_wait(sem_b)
            return carry

        lax.fori_loop(0, (n_chunks - 1) // 2, body, 0)
        s_wait(sem)
        plsc.subcore_barrier()
        pltpu.sync_copy(deg_sh.at[pl.ds(sid * zchunk, zchunk)],
                        out_hbm.at[c, pl.ds(sid * zchunk, zchunk)])


def _edge_kernel_body(N, N_pad, n_chunks, hs_hbm, ei2_hbm, ei3_hbm, out_hbm,
                      src_v, dst_v, rows0, rows1, acc_sh, sem_i, sem_g0,
                      sem_g1, sem_s0, sem_s1):
    c = lax.axis_index("c")
    sid = lax.axis_index("s")
    wid = c * NS + sid

    if True:
        cp0 = pltpu.async_copy(ei2_hbm.at[wid], src_v, sem_i)
        cp1 = pltpu.async_copy(ei3_hbm.at[NW + wid], dst_v, sem_i)

        def zbody(r, carry):
            for jj in range(8):
                z = jnp.zeros((16,), jnp.float32)
                rows0[r, pl.ds(jj * 16, 16)] = z
                rows1[r, pl.ds(jj * 16, 16)] = z
            return carry

        lax.fori_loop(0, K, zbody, 0)
        zchunk = N_pad // NS
        nz = zchunk // K

        def zslice(r):
            return acc_sh.at[pl.ds(sid * zchunk + r * K, K)]

        for r in range(nz):
            buf, sem = (rows0, sem_s0) if r % 2 == 0 else (rows1, sem_s1)
            pltpu.async_copy(buf, zslice(r), sem)
        for r in range(nz):
            buf, sem = (rows0, sem_s0) if r % 2 == 0 else (rows1, sem_s1)
            pltpu.make_async_copy(buf, zslice(r), sem).wait()
        cp0.wait()
        cp1.wait()
        plsc.subcore_barrier()

        def g_start(j, buf, sem):
            pltpu.async_copy(hs_hbm.at[src_v.at[pl.ds(j * K, K)]], buf, sem)

        def g_wait(j, buf, sem):
            pltpu.make_async_copy(hs_hbm.at[src_v.at[pl.ds(j * K, K)]], buf,
                                  sem).wait()

        def s_start(j, buf, sem):
            pltpu.async_copy(buf, acc_sh.at[dst_v.at[j]], sem, add=True)

        def s_wait(j, buf, sem):
            pltpu.make_async_copy(buf, acc_sh.at[dst_v.at[j]], sem).wait()

        g_start(0, rows0, sem_g0)
        g_wait(0, rows0, sem_g0)
        s_start(0, rows0, sem_s0)
        g_start(1, rows1, sem_g1)
        g_wait(1, rows1, sem_g1)
        s_start(1, rows1, sem_s1)
        s_wait(0, rows0, sem_s0)
        g_start(2, rows0, sem_g0)

        def body(i, carry):
            j = 2 * i
            s_wait(j - 1, rows1, sem_s1)
            g_start(j + 1, rows1, sem_g1)
            g_wait(j, rows0, sem_g0)
            s_start(j, rows0, sem_s0)
            g_wait(j + 1, rows1, sem_g1)
            s_start(j + 1, rows1, sem_s1)
            s_wait(j, rows0, sem_s0)
            g_start(j + 2, rows0, sem_g0)
            return carry

        lax.fori_loop(1, (n_chunks - 1) // 2, body, 0)
        j = n_chunks - 1
        g_wait(j, rows0, sem_g0)
        s_start(j, rows0, sem_s0)
        s_wait(j - 1, rows1, sem_s1)
        s_wait(j, rows0, sem_s0)
        plsc.subcore_barrier()
        orows = N_pad // NS
        pltpu.sync_copy(acc_sh.at[pl.ds(sid * orows, orows)],
                        out_hbm.at[c, pl.ds(sid * orows, orows)])


def _mm_body(deg_ref, x_ref, w_ref, hs_ref, dinv_ref):
    deg = deg_ref[0] + deg_ref[1] + 1.0
    dinv = lax.rsqrt(deg)
    dinv_ref[...] = dinv[None, :]
    h = jnp.dot(x_ref[...], w_ref[...], preferred_element_type=jnp.float32)
    hs_ref[...] = h * dinv[:, None]


def _final_body(acc_ref, hs_ref, dinv_ref, b_ref, x_ref, out_ref):
    dinv = dinv_ref[0][:, None]
    s = (acc_ref[0] + acc_ref[1] + hs_ref[...]) * dinv + b_ref[...]
    out_ref[...] = jnp.maximum(s, 0.0) + x_ref[...]


def kernel(x, edge_index, W, b):
    N, D = x.shape
    E = edge_index.shape[1]
    assert D == 128 and E % (NW * K) == 0
    n_chunks = E // (NW * K)
    N_pad = ((N + 16 * 640 - 1) // (16 * 640)) * (16 * 640)

    ei2 = edge_index.reshape(2 * NW, n_chunks * K)
    ei3 = edge_index.reshape(2 * NW, n_chunks, K)

    mesh = plsc.VectorSubcoreMesh(core_axis_name="c", subcore_axis_name="s")

    deg_p = pl.kernel(
        functools.partial(_deg_kernel_body, N_pad, n_chunks),
        out_type=jax.ShapeDtypeStruct((NC, N_pad), jnp.float32),
        mesh=mesh,
        scratch_types=[
            pltpu.VMEM((n_chunks, K), jnp.int32),
            pltpu.VMEM((K,), jnp.float32),
            pltpu.VMEM((N_pad // NS,), jnp.float32),
            pltpu.VMEM_SHARED((N_pad,), jnp.float32),
            pltpu.SemaphoreType.DMA,
            pltpu.SemaphoreType.DMA,
        ],
    )(ei3)

    R = 1280
    hs, dinv = pl.pallas_call(
        _mm_body,
        grid=(N_pad // R,),
        in_specs=[
            pl.BlockSpec((NC, R), lambda i: (0, i)),
            pl.BlockSpec((R, D), lambda i: (i, 0)),
            pl.BlockSpec((D, D), lambda i: (0, 0)),
        ],
        out_specs=[
            pl.BlockSpec((R, D), lambda i: (i, 0)),
            pl.BlockSpec((1, R), lambda i: (0, i)),
        ],
        out_shape=[
            jax.ShapeDtypeStruct((N, D), jnp.float32),
            jax.ShapeDtypeStruct((1, N), jnp.float32),
        ],
    )(deg_p, x, W)

    acc_p = pl.kernel(
        functools.partial(_edge_kernel_body, N, N_pad, n_chunks),
        out_type=jax.ShapeDtypeStruct((NC, N_pad, D), jnp.float32),
        mesh=mesh,
        scratch_types=[
            pltpu.VMEM((n_chunks * K,), jnp.int32),
            pltpu.VMEM((n_chunks, K), jnp.int32),
            pltpu.VMEM((K, D), jnp.float32),
            pltpu.VMEM((K, D), jnp.float32),
            pltpu.VMEM_SHARED((N_pad, D), jnp.float32),
            pltpu.SemaphoreType.DMA,
            pltpu.SemaphoreType.DMA,
            pltpu.SemaphoreType.DMA,
            pltpu.SemaphoreType.DMA,
            pltpu.SemaphoreType.DMA,
        ],
    )(hs, ei2, ei3)

    out = pl.pallas_call(
        _final_body,
        grid=(N_pad // R,),
        in_specs=[
            pl.BlockSpec((NC, R, D), lambda i: (0, i, 0)),
            pl.BlockSpec((R, D), lambda i: (i, 0)),
            pl.BlockSpec((1, R), lambda i: (0, i)),
            pl.BlockSpec((1, D), lambda i: (0, 0)),
            pl.BlockSpec((R, D), lambda i: (i, 0)),
        ],
        out_specs=pl.BlockSpec((R, D), lambda i: (i, 0)),
        out_shape=jax.ShapeDtypeStruct((N, D), jnp.float32),
    )(acc_p, hs, dinv, b.reshape(1, D), x)
    return out

# --- scband reference (transcript-rebuilt; emitter-appended) ---
"""Pipeline reference for scband-res-gcnblock-66812511257312 (READ-ONLY COPY).

The authoritative reference and input builder live on the scoring server;
editing this copy changes nothing except your own understanding.
"""

import jax, jax.numpy as jnp
import numpy as np

N_NODES = 10000
N_EDGES = 320000
D = 128

def setup_inputs(seed: int = 0) -> dict:
    key = jax.random.key(seed)
    k1, k2, k3 = jax.random.split(key, 3)
    x = jax.random.normal(k1, (N_NODES, D), dtype=jnp.float32)
    edge_index = jax.random.randint(k2, (2, N_EDGES), 0, N_NODES, dtype=jnp.int32)
    # GCNConv learned params (glorot weight, zero bias as in PyG defaults)
    limit = float(np.sqrt(6.0 / (D + D)))
    W = jax.random.uniform(k3, (D, D), dtype=jnp.float32, minval=-limit, maxval=limit)
    b = jnp.zeros((D,), dtype=jnp.float32)
    return {"x": x, "edge_index": edge_index, "W": W, "b": b}

def reference(x, edge_index, W, b):
    # ResGCNBlock.forward: GCNConv -> ReLU -> (dropout=0 skipped) -> residual add
    N = x.shape[0]
    # GCNConv: add self-loops, symmetric normalization D^-1/2 (A+I) D^-1/2 X W + b
    loops = jnp.arange(N, dtype=edge_index.dtype)
    src = jnp.concatenate([edge_index[0], loops])
    dst = jnp.concatenate([edge_index[1], loops])
    ones = jnp.ones(src.shape[0], dtype=x.dtype)
    deg = jnp.zeros((N,), dtype=x.dtype).at[dst].add(ones)
    dinv = jnp.where(deg > 0, jax.lax.rsqrt(jnp.maximum(deg, 1e-12)), 0.0)
    norm = dinv[src] * dinv[dst]
    h = x @ W                       # linear transform first (PyG GCNConv)
    msg = jnp.take(h, src, axis=0) * norm[:, None]   # gather + scale
    agg = jax.ops.segment_sum(msg, dst, num_segments=N)  # scatter-add
    out = agg + b
    out = jax.nn.relu(out)
    out = out + x                   # residual (input_dim == output_dim)
    return out

if __name__ == "__main__":
    import jax
    _d = setup_inputs()
    print(jax.jit(kernel)(*tuple(_d.values())))

</pallas_src>

<mosaic_0001>
#map = affine_map<(d0, d1) -> (0, 0)>
#map1 = affine_map<(d0, d1) -> (0, 0, 0)>
module attributes {stable_mosaic.version = 14 : i64} {
  func.func @_edge_kernel_body(%arg0: i32, %arg1: i32, %arg2: memref<10000x128xf32, #tpu.memory_space<hbm>>, %arg3: memref<64x10000xi32, #tpu.memory_space<hbm>>, %arg4: memref<64x125x80xi32, #tpu.memory_space<hbm>>, %arg5: memref<2x10240x128xf32, #tpu.memory_space<hbm>>, %arg6: memref<10000xi32, #tpu.memory_space<vmem>>, %arg7: memref<125x80xi32, #tpu.memory_space<vmem>>, %arg8: memref<80x128xf32, #tpu.memory_space<vmem>>, %arg9: memref<80x128xf32, #tpu.memory_space<vmem>>, %arg10: memref<10240x128xf32, #tpu.memory_space<vmem_shared>>, %arg11: memref<!tpu.dma_semaphore, #tpu.memory_space<semaphore_mem>>, %arg12: memref<!tpu.dma_semaphore, #tpu.memory_space<semaphore_mem>>, %arg13: memref<!tpu.dma_semaphore, #tpu.memory_space<semaphore_mem>>, %arg14: memref<!tpu.dma_semaphore, #tpu.memory_space<semaphore_mem>>, %arg15: memref<!tpu.dma_semaphore, #tpu.memory_space<semaphore_mem>>) attributes {dimension_semantics = [#tpu.dimension_semantics<core_parallel>, #tpu.dimension_semantics<subcore_parallel>], iteration_bounds = array<i64: 2, 16>, scalar_prefetch = 0 : i64, scratch_operands = 10 : i64, tpu.core_type = #tpu.core_type<sc_vector_subcore>, window_params = [{transform_indices = #map}, {transform_indices = #map}, {transform_indices = #map1}, {transform_indices = #map1}]} {
    %mul3A = arith.constant 16 : i32
    %mul3A_0 = arith.muli %arg0, %mul3A : i32
    %add3A = arith.addi %mul3A_0, %arg1 : i32
    %dma_start3A = arith.constant 0 : i32
    %dma_start3A_1 = tpu.memref_slice %arg3[%add3A, %dma_start3A] : memref<64x10000xi32, #tpu.memory_space<hbm>> -> memref<1x10000xi32, #tpu.memory_space<hbm>>
    %dma_start3A_2 = tpu.memref_squeeze %dma_start3A_1 : memref<1x10000xi32, #tpu.memory_space<hbm>> -> memref<10000xi32, #tpu.memory_space<hbm>>
    %dma_start3A_3 = arith.constant 0 : i32
    %dma_start3A_4 = tpu.memref_slice %arg3[%add3A, %dma_start3A_3] : memref<64x10000xi32, #tpu.memory_space<hbm>> -> memref<1x10000xi32, #tpu.memory_space<hbm>>
    %dma_start3A_5 = tpu.memref_squeeze %dma_start3A_4 : memref<1x10000xi32, #tpu.memory_space<hbm>> -> memref<10000xi32, #tpu.memory_space<hbm>>
    tpu.enqueue_dma source(%dma_start3A_5 : memref<10000xi32, #tpu.memory_space<hbm>>) target(%arg6 : memref<10000xi32, #tpu.memory_space<vmem>>) target_semaphore(%arg11 : memref<!tpu.dma_semaphore, #tpu.memory_space<semaphore_mem>>)
    %add3A_6 = arith.constant 32 : i32
    %add3A_7 = arith.addi %add3A_6, %add3A : i32
    %dma_start3A_8 = arith.constant 0 : i32
    %dma_start3A_9 = arith.constant 0 : i32
    %dma_start3A_10 = tpu.memref_slice %arg4[%add3A_7, %dma_start3A_8, %dma_start3A_9] : memref<64x125x80xi32, #tpu.memory_space<hbm>> -> memref<1x125x80xi32, #tpu.memory_space<hbm>>
    %dma_start3A_11 = tpu.memref_squeeze %dma_start3A_10 : memref<1x125x80xi32, #tpu.memory_space<hbm>> -> memref<125x80xi32, #tpu.memory_space<hbm>>
    %dma_start3A_12 = arith.constant 0 : i32
    %dma_start3A_13 = arith.constant 0 : i32
    %dma_start3A_14 = tpu.memref_slice %arg4[%add3A_7, %dma_start3A_12, %dma_start3A_13] : memref<64x125x80xi32, #tpu.memory_space<hbm>> -> memref<1x125x80xi32, #tpu.memory_space<hbm>>
    %dma_start3A_15 = tpu.memref_squeeze %dma_start3A_14 : memref<1x125x80xi32, #tpu.memory_space<hbm>> -> memref<125x80xi32, #tpu.memory_space<hbm>>
    tpu.enqueue_dma source(%dma_start3A_15 : memref<125x80xi32, #tpu.memory_space<hbm>>) target(%arg7 : memref<125x80xi32, #tpu.memory_space<vmem>>) target_semaphore(%arg11 : memref<!tpu.dma_semaphore, #tpu.memory_space<semaphore_mem>>)
    %scan3A = arith.constant 0 : i32
    %scan3A_16 = arith.constant 0 : i32
    %scan3A_17 = arith.constant 80 : i32
    %scan3A_18 = arith.addi %scan3A_16, %scan3A_17 : i32
    %scan3A_19 = arith.constant 1 : i32
    scf.for %scan3A_245 = %scan3A_16 to %scan3A_18 step %scan3A_19  : i32 {
      %broadcast_in_dim3A = arith.constant 0.000000e+00 : f32
      %broadcast_in_dim3A_246 = vector.broadcast %broadcast_in_dim3A : f32 to vector<16xf32>
      %swap3A = arith.index_cast %scan3A_245 : i32 to index
      %swap3A_247 = arith.constant 0 : index
      %swap3A_248 = tpu.vector_load %arg8[%swap3A, %swap3A_247] {strides = array<i32>} : memref<80x128xf32, #tpu.memory_space<vmem>>, vector<1x16xf32>,
      %swap3A_249 = vector.shape_cast %swap3A_248 : vector<1x16xf32> to vector<16xf32>
      %swap3A_250 = vector.shape_cast %broadcast_in_dim3A_246 : vector<16xf32> to vector<1x16xf32>
      tpu.vector_store %arg8[%swap3A, %swap3A_247], %swap3A_250 {strides = array<i32>} : memref<80x128xf32, #tpu.memory_space<vmem>>, vector<1x16xf32>,
      %swap3A_251 = arith.index_cast %scan3A_245 : i32 to index
      %swap3A_252 = arith.constant 0 : index
      %swap3A_253 = tpu.vector_load %arg9[%swap3A_251, %swap3A_252] {strides = array<i32>} : memref<80x128xf32, #tpu.memory_space<vmem>>, vector<1x16xf32>,
      %swap3A_254 = vector.shape_cast %swap3A_253 : vector<1x16xf32> to vector<16xf32>
      %swap3A_255 = vector.shape_cast %broadcast_in_dim3A_246 : vector<16xf32> to vector<1x16xf32>
      tpu.vector_store %arg9[%swap3A_251, %swap3A_252], %swap3A_255 {strides = array<i32>} : memref<80x128xf32, #tpu.memory_space<vmem>>, vector<1x16xf32>,
      %broadcast_in_dim3A_256 = arith.constant 0.000000e+00 : f32
      %broadcast_in_dim3A_257 = vector.broadcast %broadcast_in_dim3A_256 : f32 to vector<16xf32>
      %swap3A_258 = arith.index_cast %scan3A_245 : i32 to index
      %swap3A_259 = arith.constant 16 : index
      %swap3A_260 = tpu.vector_load %arg8[%swap3A_258, %swap3A_259] {strides = array<i32>} : memref<80x128xf32, #tpu.memory_space<vmem>>, vector<1x16xf32>,
      %swap3A_261 = vector.shape_cast %swap3A_260 : vector<1x16xf32> to vector<16xf32>
      %swap3A_262 = vector.shape_cast %broadcast_in_dim3A_257 : vector<16xf32> to vector<1x16xf32>
      tpu.vector_store %arg8[%swap3A_258, %swap3A_259], %swap3A_262 {strides = array<i32>} : memref<80x128xf32, #tpu.memory_space<vmem>>, vector<1x16xf32>,
      %swap3A_263 = arith.index_cast %scan3A_245 : i32 to index
      %swap3A_264 = arith.constant 16 : index
      %swap3A_265 = tpu.vector_load %arg9[%swap3A_263, %swap3A_264] {strides = array<i32>} : memref<80x128xf32, #tpu.memory_space<vmem>>, vector<1x16xf32>,
      %swap3A_266 = vector.shape_cast %swap3A_265 : vector<1x16xf32> to vector<16xf32>
      %swap3A_267 = vector.shape_cast %broadcast_in_dim3A_257 : vector<16xf32> to vector<1x16xf32>
      tpu.vector_store %arg9[%swap3A_263, %swap3A_264], %swap3A_267 {strides = array<i32>} : memref<80x128xf32, #tpu.memory_space<vmem>>, vector<1x16xf32>,
      %broadcast_in_dim3A_268 = arith.constant 0.000000e+00 : f32
      %broadcast_in_dim3A_269 = vector.broadcast %broadcast_in_dim3A_268 : f32 to vector<16xf32>
      %swap3A_270 = arith.index_cast %scan3A_245 : i32 to index
      %swap3A_271 = arith.constant 32 : index
      %swap3A_272 = tpu.vector_load %arg8[%swap3A_270, %swap3A_271] {strides = array<i32>} : memref<80x128xf32, #tpu.memory_space<vmem>>, vector<1x16xf32>,
      %swap3A_273 = vector.shape_cast %swap3A_272 : vector<1x16xf32> to vector<16xf32>
      %swap3A_274 = vector.shape_cast %broadcast_in_dim3A_269 : vector<16xf32> to vector<1x16xf32>
      tpu.vector_store %arg8[%swap3A_270, %swap3A_271], %swap3A_274 {strides = array<i32>} : memref<80x128xf32, #tpu.memory_space<vmem>>, vector<1x16xf32>,
      %swap3A_275 = arith.index_cast %scan3A_245 : i32 to index
      %swap3A_276 = arith.constant 32 : index
      %swap3A_277 = tpu.vector_load %arg9[%swap3A_275, %swap3A_276] {strides = array<i32>} : memref<80x128xf32, #tpu.memory_space<vmem>>, vector<1x16xf32>,
      %swap3A_278 = vector.shape_cast %swap3A_277 : vector<1x16xf32> to vector<16xf32>
      %swap3A_279 = vector.shape_cast %broadcast_in_dim3A_269 : vector<16xf32> to vector<1x16xf32>
      tpu.vector_store %arg9[%swap3A_275, %swap3A_276], %swap3A_279 {strides = array<i32>} : memref<80x128xf32, #tpu.memory_space<vmem>>, vector<1x16xf32>,
      %broadcast_in_dim3A_280 = arith.constant 0.000000e+00 : f32
      %broadcast_in_dim3A_281 = vector.broadcast %broadcast_in_dim3A_280 : f32 to vector<16xf32>
      %swap3A_282 = arith.index_cast %scan3A_245 : i32 to index
      %swap3A_283 = arith.constant 48 : index
      %swap3A_284 = tpu.vector_load %arg8[%swap3A_282, %swap3A_283] {strides = array<i32>} : memref<80x128xf32, #tpu.memory_space<vmem>>, vector<1x16xf32>,
      %swap3A_285 = vector.shape_cast %swap3A_284 : vector<1x16xf32> to vector<16xf32>
      %swap3A_286 = vector.shape_cast %broadcast_in_dim3A_281 : vector<16xf32> to vector<1x16xf32>
      tpu.vector_store %arg8[%swap3A_282, %swap3A_283], %swap3A_286 {strides = array<i32>} : memref<80x128xf32, #tpu.memory_space<vmem>>, vector<1x16xf32>,
      %swap3A_287 = arith.index_cast %scan3A_245 : i32 to index
      %swap3A_288 = arith.constant 48 : index
      %swap3A_289 = tpu.vector_load %arg9[%swap3A_287, %swap3A_288] {strides = array<i32>} : memref<80x128xf32, #tpu.memory_space<vmem>>, vector<1x16xf32>,
      %swap3A_290 = vector.shape_cast %swap3A_289 : vector<1x16xf32> to vector<16xf32>
      %swap3A_291 = vector.shape_cast %broadcast_in_dim3A_281 : vector<16xf32> to vector<1x16xf32>
      tpu.vector_store %arg9[%swap3A_287, %swap3A_288], %swap3A_291 {strides = array<i32>} : memref<80x128xf32, #tpu.memory_space<vmem>>, vector<1x16xf32>,
      %broadcast_in_dim3A_292 = arith.constant 0.000000e+00 : f32
      %broadcast_in_dim3A_293 = vector.broadcast %broadcast_in_dim3A_292 : f32 to vector<16xf32>
      %swap3A_294 = arith.index_cast %scan3A_245 : i32 to index
      %swap3A_295 = arith.constant 64 : index
      %swap3A_296 = tpu.vector_load %arg8[%swap3A_294, %swap3A_295] {strides = array<i32>} : memref<80x128xf32, #tpu.memory_space<vmem>>, vector<1x16xf32>,
      %swap3A_297 = vector.shape_cast %swap3A_296 : vector<1x16xf32> to vector<16xf32>
      %swap3A_298 = vector.shape_cast %broadcast_in_dim3A_293 : vector<16xf32> to vector<1x16xf32>
      tpu.vector_store %arg8[%swap3A_294, %swap3A_295], %swap3A_298 {strides = array<i32>} : memref<80x128xf32, #tpu.memory_space<vmem>>, vector<1x16xf32>,
      %swap3A_299 = arith.index_cast %scan3A_245 : i32 to index
      %swap3A_300 = arith.constant 64 : index
      %swap3A_301 = tpu.vector_load %arg9[%swap3A_299, %swap3A_300] {strides = array<i32>} : memref<80x128xf32, #tpu.memory_space<vmem>>, vector<1x16xf32>,
      %swap3A_302 = vector.shape_cast %swap3A_301 : vector<1x16xf32> to vector<16xf32>
      %swap3A_303 = vector.shape_cast %broadcast_in_dim3A_293 : vector<16xf32> to vector<1x16xf32>
      tpu.vector_store %arg9[%swap3A_299, %swap3A_300], %swap3A_303 {strides = array<i32>} : memref<80x128xf32, #tpu.memory_space<vmem>>, vector<1x16xf32>,
      %broadcast_in_dim3A_304 = arith.constant 0.000000e+00 : f32
      %broadcast_in_dim3A_305 = vector.broadcast %broadcast_in_dim3A_304 : f32 to vector<16xf32>
      %swap3A_306 = arith.index_cast %scan3A_245 : i32 to index
      %swap3A_307 = arith.constant 80 : index
      %swap3A_308 = tpu.vector_load %arg8[%swap3A_306, %swap3A_307] {strides = array<i32>} : memref<80x128xf32, #tpu.memory_space<vmem>>, vector<1x16xf32>,
      %swap3A_309 = vector.shape_cast %swap3A_308 : vector<1x16xf32> to vector<16xf32>
      %swap3A_310 = vector.shape_cast %broadcast_in_dim3A_305 : vector<16xf32> to vector<1x16xf32>
      tpu.vector_store %arg8[%swap3A_306, %swap3A_307], %swap3A_310 {strides = array<i32>} : memref<80x128xf32, #tpu.memory_space<vmem>>, vector<1x16xf32>,
      %swap3A_311 = arith.index_cast %scan3A_245 : i32 to index
      %swap3A_312 = arith.constant 80 : index
      %swap3A_313 = tpu.vector_load %arg9[%swap3A_311, %swap3A_312] {strides = array<i32>} : memref<80x128xf32, #tpu.memory_space<vmem>>, vector<1x16xf32>,
      %swap3A_314 = vector.shape_cast %swap3A_313 : vector<1x16xf32> to vector<16xf32>
      %swap3A_315 = vector.shape_cast %broadcast_in_dim3A_305 : vector<16xf32> to vector<1x16xf32>
      tpu.vector_store %arg9[%swap3A_311, %swap3A_312], %swap3A_315 {strides = array<i32>} : memref<80x128xf32, #tpu.memory_space<vmem>>, vector<1x16xf32>,
      %broadcast_in_dim3A_316 = arith.constant 0.000000e+00 : f32
      %broadcast_in_dim3A_317 = vector.broadcast %broadcast_in_dim3A_316 : f32 to vector<16xf32>
      %swap3A_318 = arith.index_cast %scan3A_245 : i32 to index
      %swap3A_319 = arith.constant 96 : index
      %swap3A_320 = tpu.vector_load %arg8[%swap3A_318, %swap3A_319] {strides = array<i32>} : memref<80x128xf32, #tpu.memory_space<vmem>>, vector<1x16xf32>,
      %swap3A_321 = vector.shape_cast %swap3A_320 : vector<1x16xf32> to vector<16xf32>
      %swap3A_322 = vector.shape_cast %broadcast_in_dim3A_317 : vector<16xf32> to vector<1x16xf32>
      tpu.vector_store %arg8[%swap3A_318, %swap3A_319], %swap3A_322 {strides = array<i32>} : memref<80x128xf32, #tpu.memory_space<vmem>>, vector<1x16xf32>,
      %swap3A_323 = arith.index_cast %scan3A_245 : i32 to index
      %swap3A_324 = arith.constant 96 : index
      %swap3A_325 = tpu.vector_load %arg9[%swap3A_323, %swap3A_324] {strides = array<i32>} : memref<80x128xf32, #tpu.memory_space<vmem>>, vector<1x16xf32>,
      %swap3A_326 = vector.shape_cast %swap3A_325 : vector<1x16xf32> to vector<16xf32>
      %swap3A_327 = vector.shape_cast %broadcast_in_dim3A_317 : vector<16xf32> to vector<1x16xf32>
      tpu.vector_store %arg9[%swap3A_323, %swap3A_324], %swap3A_327 {strides = array<i32>} : memref<80x128xf32, #tpu.memory_space<vmem>>, vector<1x16xf32>,
      %broadcast_in_dim3A_328 = arith.constant 0.000000e+00 : f32
      %broadcast_in_dim3A_329 = vector.broadcast %broadcast_in_dim3A_328 : f32 to vector<16xf32>
      %swap3A_330 = arith.index_cast %scan3A_245 : i32 to index
      %swap3A_331 = arith.constant 112 : index
      %swap3A_332 = tpu.vector_load %arg8[%swap3A_330, %swap3A_331] {strides = array<i32>} : memref<80x128xf32, #tpu.memory_space<vmem>>, vector<1x16xf32>,
      %swap3A_333 = vector.shape_cast %swap3A_332 : vector<1x16xf32> to vector<16xf32>
      %swap3A_334 = vector.shape_cast %broadcast_in_dim3A_329 : vector<16xf32> to vector<1x16xf32>
      tpu.vector_store %arg8[%swap3A_330, %swap3A_331], %swap3A_334 {strides = array<i32>} : memref<80x128xf32, #tpu.memory_space<vmem>>, vector<1x16xf32>,
      %swap3A_335 = arith.index_cast %scan3A_245 : i32 to index
      %swap3A_336 = arith.constant 112 : index
      %swap3A_337 = tpu.vector_load %arg9[%swap3A_335, %swap3A_336] {strides = array<i32>} : memref<80x128xf32, #tpu.memory_space<vmem>>, vector<1x16xf32>,
      %swap3A_338 = vector.shape_cast %swap3A_337 : vector<1x16xf32> to vector<16xf32>
      %swap3A_339 = vector.shape_cast %broadcast_in_dim3A_329 : vector<16xf32> to vector<1x16xf32>
      tpu.vector_store %arg9[%swap3A_335, %swap3A_336], %swap3A_339 {strides = array<i32>} : memref<80x128xf32, #tpu.memory_space<vmem>>, vector<1x16xf32>,
    }
    %scan3A_20 = arith.constant 80 : i32
    %mul3A_21 = arith.constant 640 : i32
    %mul3A_22 = arith.muli %arg1, %mul3A_21 : i32
    %add3A_23 = arith.constant 0 : i32
    %add3A_24 = arith.addi %mul3A_22, %add3A_23 : i32
    %dma_start3A_25 = arith.constant 0 : i32
    %dma_start3A_26 = tpu.memref_slice %arg10[%add3A_24, %dma_start3A_25] : memref<10240x128xf32, #tpu.memory_space<vmem_shared>> -> memref<80x128xf32, #tpu.memory_space<vmem_shared>>
    %dma_start3A_27 = arith.constant 0 : i32
    %dma_start3A_28 = tpu.memref_slice %arg10[%add3A_24, %dma_start3A_27] : memref<10240x128xf32, #tpu.memory_space<vmem_shared>> -> memref<80x128xf32, #tpu.memory_space<vmem_shared>>
    tpu.enqueue_dma source(%arg8 : memref<80x128xf32, #tpu.memory_space<vmem>>) target(%dma_start3A_28 : memref<80x128xf32, #tpu.memory_space<vmem_shared>>) target_semaphore(%arg14 : memref<!tpu.dma_semaphore, #tpu.memory_space<semaphore_mem>>)
    %mul3A_29 = arith.constant 640 : i32
    %mul3A_30 = arith.muli %arg1, %mul3A_29 : i32
    %add3A_31 = arith.constant 80 : i32
    %add3A_32 = arith.addi %mul3A_30, %add3A_31 : i32
    %dma_start3A_33 = arith.constant 0 : i32
    %dma_start3A_34 = tpu.memref_slice %arg10[%add3A_32, %dma_start3A_33] : memref<10240x128xf32, #tpu.memory_space<vmem_shared>> -> memref<80x128xf32, #tpu.memory_space<vmem_shared>>
    %dma_start3A_35 = arith.constant 0 : i32
    %dma_start3A_36 = tpu.memref_slice %arg10[%add3A_32, %dma_start3A_35] : memref<10240x128xf32, #tpu.memory_space<vmem_shared>> -> memref<80x128xf32, #tpu.memory_space<vmem_shared>>
    tpu.enqueue_dma source(%arg9 : memref<80x128xf32, #tpu.memory_space<vmem>>) target(%dma_start3A_36 : memref<80x128xf32, #tpu.memory_space<vmem_shared>>) target_semaphore(%arg15 : memref<!tpu.dma_semaphore, #tpu.memory_space<semaphore_mem>>)
    %mul3A_37 = arith.constant 640 : i32
    %mul3A_38 = arith.muli %arg1, %mul3A_37 : i32
    %add3A_39 = arith.constant 160 : i32
    %add3A_40 = arith.addi %mul3A_38, %add3A_39 : i32
    %dma_start3A_41 = arith.constant 0 : i32
    %dma_start3A_42 = tpu.memref_slice %arg10[%add3A_40, %dma_start3A_41] : memref<10240x128xf32, #tpu.memory_space<vmem_shared>> -> memref<80x128xf32, #tpu.memory_space<vmem_shared>>
    %dma_start3A_43 = arith.constant 0 : i32
    %dma_start3A_44 = tpu.memref_slice %arg10[%add3A_40, %dma_start3A_43] : memref<10240x128xf32, #tpu.memory_space<vmem_shared>> -> memref<80x128xf32, #tpu.memory_space<vmem_shared>>
    tpu.enqueue_dma source(%arg8 : memref<80x128xf32, #tpu.memory_space<vmem>>) target(%dma_start3A_44 : memref<80x128xf32, #tpu.memory_space<vmem_shared>>) target_semaphore(%arg14 : memref<!tpu.dma_semaphore, #tpu.memory_space<semaphore_mem>>)
    %mul3A_45 = arith.constant 640 : i32
    %mul3A_46 = arith.muli %arg1, %mul3A_45 : i32
    %add3A_47 = arith.constant 240 : i32
    %add3A_48 = arith.addi %mul3A_46, %add3A_47 : i32
    %dma_start3A_49 = arith.constant 0 : i32
    %dma_start3A_50 = tpu.memref_slice %arg10[%add3A_48, %dma_start3A_49] : memref<10240x128xf32, #tpu.memory_space<vmem_shared>> -> memref<80x128xf32, #tpu.memory_space<vmem_shared>>
    %dma_start3A_51 = arith.constant 0 : i32
    %dma_start3A_52 = tpu.memref_slice %arg10[%add3A_48, %dma_start3A_51] : memref<10240x128xf32, #tpu.memory_space<vmem_shared>> -> memref<80x128xf32, #tpu.memory_space<vmem_shared>>
    tpu.enqueue_dma source(%arg9 : memref<80x128xf32, #tpu.memory_space<vmem>>) target(%dma_start3A_52 : memref<80x128xf32, #tpu.memory_space<vmem_shared>>) target_semaphore(%arg15 : memref<!tpu.dma_semaphore, #tpu.memory_space<semaphore_mem>>)
    %mul3A_53 = arith.constant 640 : i32
    %mul3A_54 = arith.muli %arg1, %mul3A_53 : i32
    %add3A_55 = arith.constant 320 : i32
    %add3A_56 = arith.addi %mul3A_54, %add3A_55 : i32
    %dma_start3A_57 = arith.constant 0 : i32
    %dma_start3A_58 = tpu.memref_slice %arg10[%add3A_56, %dma_start3A_57] : memref<10240x128xf32, #tpu.memory_space<vmem_shared>> -> memref<80x128xf32, #tpu.memory_space<vmem_shared>>
    %dma_start3A_59 = arith.constant 0 : i32
    %dma_start3A_60 = tpu.memref_slice %arg10[%add3A_56, %dma_start3A_59] : memref<10240x128xf32, #tpu.memory_space<vmem_shared>> -> memref<80x128xf32, #tpu.memory_space<vmem_shared>>
    tpu.enqueue_dma source(%arg8 : memref<80x128xf32, #tpu.memory_space<vmem>>) target(%dma_start3A_60 : memref<80x128xf32, #tpu.memory_space<vmem_shared>>) target_semaphore(%arg14 : memref<!tpu.dma_semaphore, #tpu.memory_space<semaphore_mem>>)
    %mul3A_61 = arith.constant 640 : i32
    %mul3A_62 = arith.muli %arg1, %mul3A_61 : i32
    %add3A_63 = arith.constant 400 : i32
    %add3A_64 = arith.addi %mul3A_62, %add3A_63 : i32
    %dma_start3A_65 = arith.constant 0 : i32
    %dma_start3A_66 = tpu.memref_slice %arg10[%add3A_64, %dma_start3A_65] : memref<10240x128xf32, #tpu.memory_space<vmem_shared>> -> memref<80x128xf32, #tpu.memory_space<vmem_shared>>
    %dma_start3A_67 = arith.constant 0 : i32
    %dma_start3A_68 = tpu.memref_slice %arg10[%add3A_64, %dma_start3A_67] : memref<10240x128xf32, #tpu.memory_space<vmem_shared>> -> memref<80x128xf32, #tpu.memory_space<vmem_shared>>
    tpu.enqueue_dma source(%arg9 : memref<80x128xf32, #tpu.memory_space<vmem>>) target(%dma_start3A_68 : memref<80x128xf32, #tpu.memory_space<vmem_shared>>) target_semaphore(%arg15 : memref<!tpu.dma_semaphore, #tpu.memory_space<semaphore_mem>>)
    %mul3A_69 = arith.constant 640 : i32
    %mul3A_70 = arith.muli %arg1, %mul3A_69 : i32
    %add3A_71 = arith.constant 480 : i32
    %add3A_72 = arith.addi %mul3A_70, %add3A_71 : i32
    %dma_start3A_73 = arith.constant 0 : i32
    %dma_start3A_74 = tpu.memref_slice %arg10[%add3A_72, %dma_start3A_73] : memref<10240x128xf32, #tpu.memory_space<vmem_shared>> -> memref<80x128xf32, #tpu.memory_space<vmem_shared>>
    %dma_start3A_75 = arith.constant 0 : i32
    %dma_start3A_76 = tpu.memref_slice %arg10[%add3A_72, %dma_start3A_75] : memref<10240x128xf32, #tpu.memory_space<vmem_shared>> -> memref<80x128xf32, #tpu.memory_space<vmem_shared>>
    tpu.enqueue_dma source(%arg8 : memref<80x128xf32, #tpu.memory_space<vmem>>) target(%dma_start3A_76 : memref<80x128xf32, #tpu.memory_space<vmem_shared>>) target_semaphore(%arg14 : memref<!tpu.dma_semaphore, #tpu.memory_space<semaphore_mem>>)
    %mul3A_77 = arith.constant 640 : i32
    %mul3A_78 = arith.muli %arg1, %mul3A_77 : i32
    %add3A_79 = arith.constant 560 : i32
    %add3A_80 = arith.addi %mul3A_78, %add3A_79 : i32
    %dma_start3A_81 = arith.constant 0 : i32
    %dma_start3A_82 = tpu.memref_slice %arg10[%add3A_80, %dma_start3A_81] : memref<10240x128xf32, #tpu.memory_space<vmem_shared>> -> memref<80x128xf32, #tpu.memory_space<vmem_shared>>
    %dma_start3A_83 = arith.constant 0 : i32
    %dma_start3A_84 = tpu.memref_slice %arg10[%add3A_80, %dma_start3A_83] : memref<10240x128xf32, #tpu.memory_space<vmem_shared>> -> memref<80x128xf32, #tpu.memory_space<vmem_shared>>
    tpu.enqueue_dma source(%arg9 : memref<80x128xf32, #tpu.memory_space<vmem>>) target(%dma_start3A_84 : memref<80x128xf32, #tpu.memory_space<vmem_shared>>) target_semaphore(%arg15 : memref<!tpu.dma_semaphore, #tpu.memory_space<semaphore_mem>>)
    %mul3A_85 = arith.constant 640 : i32
    %mul3A_86 = arith.muli %arg1, %mul3A_85 : i32
    %add3A_87 = arith.constant 0 : i32
    %add3A_88 = arith.addi %mul3A_86, %add3A_87 : i32
    %dma_wait3A = arith.constant 0 : i32
    %dma_wait3A_89 = tpu.memref_slice %arg10[%add3A_88, %dma_wait3A] : memref<10240x128xf32, #tpu.memory_space<vmem_shared>> -> memref<80x128xf32, #tpu.memory_space<vmem_shared>>
    %dma_wait3A_90 = arith.constant 0 : i32
    %dma_wait3A_91 = tpu.memref_slice %arg10[%add3A_88, %dma_wait3A_90] : memref<10240x128xf32, #tpu.memory_space<vmem_shared>> -> memref<80x128xf32, #tpu.memory_space<vmem_shared>>
    tpu.wait_dma2 semaphore(%arg14 : memref<!tpu.dma_semaphore, #tpu.memory_space<semaphore_mem>>) src(%arg8 : memref<80x128xf32, #tpu.memory_space<vmem>>) dst(%dma_wait3A_91 : memref<80x128xf32, #tpu.memory_space<vmem_shared>>)
    %mul3A_92 = arith.constant 640 : i32
    %mul3A_93 = arith.muli %arg1, %mul3A_92 : i32
    %add3A_94 = arith.constant 80 : i32
    %add3A_95 = arith.addi %mul3A_93, %add3A_94 : i32
    %dma_wait3A_96 = arith.constant 0 : i32
    %dma_wait3A_97 = tpu.memref_slice %arg10[%add3A_95, %dma_wait3A_96] : memref<10240x128xf32, #tpu.memory_space<vmem_shared>> -> memref<80x128xf32, #tpu.memory_space<vmem_shared>>
    %dma_wait3A_98 = arith.constant 0 : i32
    %dma_wait3A_99 = tpu.memref_slice %arg10[%add3A_95, %dma_wait3A_98] : memref<10240x128xf32, #tpu.memory_space<vmem_shared>> -> memref<80x128xf32, #tpu.memory_space<vmem_shared>>
    tpu.wait_dma2 semaphore(%arg15 : memref<!tpu.dma_semaphore, #tpu.memory_space<semaphore_mem>>) src(%arg9 : memref<80x128xf32, #tpu.memory_space<vmem>>) dst(%dma_wait3A_99 : memref<80x128xf32, #tpu.memory_space<vmem_shared>>)
    %mul3A_100 = arith.constant 640 : i32
    %mul3A_101 = arith.muli %arg1, %mul3A_100 : i32
    %add3A_102 = arith.constant 160 : i32
    %add3A_103 = arith.addi %mul3A_101, %add3A_102 : i32
    %dma_wait3A_104 = arith.constant 0 : i32
    %dma_wait3A_105 = tpu.memref_slice %arg10[%add3A_103, %dma_wait3A_104] : memref<10240x128xf32, #tpu.memory_space<vmem_shared>> -> memref<80x128xf32, #tpu.memory_space<vmem_shared>>
    %dma_wait3A_106 = arith.constant 0 : i32
    %dma_wait3A_107 = tpu.memref_slice %arg10[%add3A_103, %dma_wait3A_106] : memref<10240x128xf32, #tpu.memory_space<vmem_shared>> -> memref<80x128xf32, #tpu.memory_space<vmem_shared>>
    tpu.wait_dma2 semaphore(%arg14 : memref<!tpu.dma_semaphore, #tpu.memory_space<semaphore_mem>>) src(%arg8 : memref<80x128xf32, #tpu.memory_space<vmem>>) dst(%dma_wait3A_107 : memref<80x128xf32, #tpu.memory_space<vmem_shared>>)
    %mul3A_108 = arith.constant 640 : i32
    %mul3A_109 = arith.muli %arg1, %mul3A_108 : i32
    %add3A_110 = arith.constant 240 : i32
    %add3A_111 = arith.addi %mul3A_109, %add3A_110 : i32
    %dma_wait3A_112 = arith.constant 0 : i32
    %dma_wait3A_113 = tpu.memref_slice %arg10[%add3A_111, %dma_wait3A_112] : memref<10240x128xf32, #tpu.memory_space<vmem_shared>> -> memref<80x128xf32, #tpu.memory_space<vmem_shared>>
    %dma_wait3A_114 = arith.constant 0 : i32
    %dma_wait3A_115 = tpu.memref_slice %arg10[%add3A_111, %dma_wait3A_114] : memref<10240x128xf32, #tpu.memory_space<vmem_shared>> -> memref<80x128xf32, #tpu.memory_space<vmem_shared>>
    tpu.wait_dma2 semaphore(%arg15 : memref<!tpu.dma_semaphore, #tpu.memory_space<semaphore_mem>>) src(%arg9 : memref<80x128xf32, #tpu.memory_space<vmem>>) dst(%dma_wait3A_115 : memref<80x128xf32, #tpu.memory_space<vmem_shared>>)
    %mul3A_116 = arith.constant 640 : i32
    %mul3A_117 = arith.muli %arg1, %mul3A_116 : i32
    %add3A_118 = arith.constant 320 : i32
    %add3A_119 = arith.addi %mul3A_117, %add3A_118 : i32
    %dma_wait3A_120 = arith.constant 0 : i32
    %dma_wait3A_121 = tpu.memref_slice %arg10[%add3A_119, %dma_wait3A_120] : memref<10240x128xf32, #tpu.memory_space<vmem_shared>> -> memref<80x128xf32, #tpu.memory_space<vmem_shared>>
    %dma_wait3A_122 = arith.constant 0 : i32
    %dma_wait3A_123 = tpu.memref_slice %arg10[%add3A_119, %dma_wait3A_122] : memref<10240x128xf32, #tpu.memory_space<vmem_shared>> -> memref<80x128xf32, #tpu.memory_space<vmem_shared>>
    tpu.wait_dma2 semaphore(%arg14 : memref<!tpu.dma_semaphore, #tpu.memory_space<semaphore_mem>>) src(%arg8 : memref<80x128xf32, #tpu.memory_space<vmem>>) dst(%dma_wait3A_123 : memref<80x128xf32, #tpu.memory_space<vmem_shared>>)
    %mul3A_124 = arith.constant 640 : i32
    %mul3A_125 = arith.muli %arg1, %mul3A_124 : i32
    %add3A_126 = arith.constant 400 : i32
    %add3A_127 = arith.addi %mul3A_125, %add3A_126 : i32
    %dma_wait3A_128 = arith.constant 0 : i32
    %dma_wait3A_129 = tpu.memref_slice %arg10[%add3A_127, %dma_wait3A_128] : memref<10240x128xf32, #tpu.memory_space<vmem_shared>> -> memref<80x128xf32, #tpu.memory_space<vmem_shared>>
    %dma_wait3A_130 = arith.constant 0 : i32
    %dma_wait3A_131 = tpu.memref_slice %arg10[%add3A_127, %dma_wait3A_130] : memref<10240x128xf32, #tpu.memory_space<vmem_shared>> -> memref<80x128xf32, #tpu.memory_space<vmem_shared>>
    tpu.wait_dma2 semaphore(%arg15 : memref<!tpu.dma_semaphore, #tpu.memory_space<semaphore_mem>>) src(%arg9 : memref<80x128xf32, #tpu.memory_space<vmem>>) dst(%dma_wait3A_131 : memref<80x128xf32, #tpu.memory_space<vmem_shared>>)
    %mul3A_132 = arith.constant 640 : i32
    %mul3A_133 = arith.muli %arg1, %mul3A_132 : i32
    %add3A_134 = arith.constant 480 : i32
    %add3A_135 = arith.addi %mul3A_133, %add3A_134 : i32
    %dma_wait3A_136 = arith.constant 0 : i32
    %dma_wait3A_137 = tpu.memref_slice %arg10[%add3A_135, %dma_wait3A_136] : memref<10240x128xf32, #tpu.memory_space<vmem_shared>> -> memref<80x128xf32, #tpu.memory_space<vmem_shared>>
    %dma_wait3A_138 = arith.constant 0 : i32
    %dma_wait3A_139 = tpu.memref_slice %arg10[%add3A_135, %dma_wait3A_138] : memref<10240x128xf32, #tpu.memory_space<vmem_shared>> -> memref<80x128xf32, #tpu.memory_space<vmem_shared>>
    tpu.wait_dma2 semaphore(%arg14 : memref<!tpu.dma_semaphore, #tpu.memory_space<semaphore_mem>>) src(%arg8 : memref<80x128xf32, #tpu.memory_space<vmem>>) dst(%dma_wait3A_139 : memref<80x128xf32, #tpu.memory_space<vmem_shared>>)
    %mul3A_140 = arith.constant 640 : i32
    %mul3A_141 = arith.muli %arg1, %mul3A_140 : i32
    %add3A_142 = arith.constant 560 : i32
    %add3A_143 = arith.addi %mul3A_141, %add3A_142 : i32
    %dma_wait3A_144 = arith.constant 0 : i32
    %dma_wait3A_145 = tpu.memref_slice %arg10[%add3A_143, %dma_wait3A_144] : memref<10240x128xf32, #tpu.memory_space<vmem_shared>> -> memref<80x128xf32, #tpu.memory_space<vmem_shared>>
    %dma_wait3A_146 = arith.constant 0 : i32
    %dma_wait3A_147 = tpu.memref_slice %arg10[%add3A_143, %dma_wait3A_146] : memref<10240x128xf32, #tpu.memory_space<vmem_shared>> -> memref<80x128xf32, #tpu.memory_space<vmem_shared>>
    tpu.wait_dma2 semaphore(%arg15 : memref<!tpu.dma_semaphore, #tpu.memory_space<semaphore_mem>>) src(%arg9 : memref<80x128xf32, #tpu.memory_space<vmem>>) dst(%dma_wait3A_147 : memref<80x128xf32, #tpu.memory_space<vmem_shared>>)
    %dma_wait3A_148 = arith.constant 0 : i32
    %dma_wait3A_149 = tpu.memref_slice %arg3[%add3A, %dma_wait3A_148] : memref<64x10000xi32, #tpu.memory_space<hbm>> -> memref<1x10000xi32, #tpu.memory_space<hbm>>
    %dma_wait3A_150 = tpu.memref_squeeze %dma_wait3A_149 : memref<1x10000xi32, #tpu.memory_space<hbm>> -> memref<10000xi32, #tpu.memory_space<hbm>>
    %dma_wait3A_151 = arith.constant 0 : i32
    %dma_wait3A_152 = tpu.memref_slice %arg3[%add3A, %dma_wait3A_151] : memref<64x10000xi32, #tpu.memory_space<hbm>> -> memref<1x10000xi32, #tpu.memory_space<hbm>>
    %dma_wait3A_153 = tpu.memref_squeeze %dma_wait3A_152 : memref<1x10000xi32, #tpu.memory_space<hbm>> -> memref<10000xi32, #tpu.memory_space<hbm>>
    tpu.wait_dma2 semaphore(%arg11 : memref<!tpu.dma_semaphore, #tpu.memory_space<semaphore_mem>>) src(%dma_wait3A_153 : memref<10000xi32, #tpu.memory_space<hbm>>) dst(%arg6 : memref<10000xi32, #tpu.memory_space<vmem>>)
    %dma_wait3A_154 = arith.constant 0 : i32
    %dma_wait3A_155 = arith.constant 0 : i32
    %dma_wait3A_156 = tpu.memref_slice %arg4[%add3A_7, %dma_wait3A_154, %dma_wait3A_155] : memref<64x125x80xi32, #tpu.memory_space<hbm>> -> memref<1x125x80xi32, #tpu.memory_space<hbm>>
    %dma_wait3A_157 = tpu.memref_squeeze %dma_wait3A_156 : memref<1x125x80xi32, #tpu.memory_space<hbm>> -> memref<125x80xi32, #tpu.memory_space<hbm>>
    %dma_wait3A_158 = arith.constant 0 : i32
    %dma_wait3A_159 = arith.constant 0 : i32
    %dma_wait3A_160 = tpu.memref_slice %arg4[%add3A_7, %dma_wait3A_158, %dma_wait3A_159] : memref<64x125x80xi32, #tpu.memory_space<hbm>> -> memref<1x125x80xi32, #tpu.memory_space<hbm>>
    %dma_wait3A_161 = tpu.memref_squeeze %dma_wait3A_160 : memref<1x125x80xi32, #tpu.memory_space<hbm>> -> memref<125x80xi32, #tpu.memory_space<hbm>>
    tpu.wait_dma2 semaphore(%arg11 : memref<!tpu.dma_semaphore, #tpu.memory_space<semaphore_mem>>) src(%dma_wait3A_161 : memref<125x80xi32, #tpu.memory_space<hbm>>) dst(%arg7 : memref<125x80xi32, #tpu.memory_space<vmem>>)
    %barrier3A = arith.constant 0 : index
    tpu.barrier barrier_id(%barrier3A)
    %dma_start3A_162 = arith.constant 0 : i32
    %dma_start3A_163 = tpu.memref_slice %arg6[%dma_start3A_162] : memref<10000xi32, #tpu.memory_space<vmem>> -> memref<80xi32, #tpu.memory_space<vmem>>
    %dma_start3A_164 = arith.constant 0 : i32
    %dma_start3A_165 = arith.constant 0 : i32
    %dma_start3A_166 = tpu.memref_slice %arg2[%dma_start3A_164, %dma_start3A_165] : memref<10000x128xf32, #tpu.memory_space<hbm>> -> memref<10000x128xf32, #tpu.memory_space<hbm>>
    tpu.enqueue_indirect_dma source(%dma_start3A_166 : memref<10000x128xf32, #tpu.memory_space<hbm>>) target(%arg8 : memref<80x128xf32, #tpu.memory_space<vmem>>) offsets(%dma_start3A_163 : memref<80xi32, #tpu.memory_space<vmem>>) semaphore(%arg12 : memref<!tpu.dma_semaphore, #tpu.memory_space<semaphore_mem>>)
    %dma_wait3A_167 = arith.constant 0 : i32
    %dma_wait3A_168 = tpu.memref_slice %arg6[%dma_wait3A_167] : memref<10000xi32, #tpu.memory_space<vmem>> -> memref<80xi32, #tpu.memory_space<vmem>>
    %dma_wait3A_169 = arith.constant 0 : i32
    %dma_wait3A_170 = arith.constant 0 : i32
    %dma_wait3A_171 = tpu.memref_slice %arg2[%dma_wait3A_169, %dma_wait3A_170] : memref<10000x128xf32, #tpu.memory_space<hbm>> -> memref<10000x128xf32, #tpu.memory_space<hbm>>
    tpu.wait_indirect_dma semaphore(%arg12 : memref<!tpu.dma_semaphore, #tpu.memory_space<semaphore_mem>>) src(%dma_wait3A_171 : memref<10000x128xf32, #tpu.memory_space<hbm>>) dst(%arg8 : memref<80x128xf32, #tpu.memory_space<vmem>>)
    %dma_start3A_172 = arith.constant 0 : i32
    %dma_start3A_173 = arith.constant 0 : i32
    %dma_start3A_174 = tpu.memref_slice %arg7[%dma_start3A_172, %dma_start3A_173] : memref<125x80xi32, #tpu.memory_space<vmem>> -> memref<1x80xi32, #tpu.memory_space<vmem>>
    %dma_start3A_175 = tpu.memref_squeeze %dma_start3A_174 : memref<1x80xi32, #tpu.memory_space<vmem>> -> memref<80xi32, #tpu.memory_space<vmem>>
    %dma_start3A_176 = arith.constant 0 : i32
    %dma_start3A_177 = arith.constant 0 : i32
    %dma_start3A_178 = tpu.memref_slice %arg10[%dma_start3A_176, %dma_start3A_177] : memref<10240x128xf32, #tpu.memory_space<vmem_shared>> -> memref<10240x128xf32, #tpu.memory_space<vmem_shared>>
    tpu.enqueue_indirect_dma source(%arg8 : memref<80x128xf32, #tpu.memory_space<vmem>>) target(%dma_start3A_178 : memref<10240x128xf32, #tpu.memory_space<vmem_shared>>) offsets(%dma_start3A_175 : memref<80xi32, #tpu.memory_space<vmem>>) semaphore(%arg14 : memref<!tpu.dma_semaphore, #tpu.memory_space<semaphore_mem>>) {add = true}
    %dma_start3A_179 = arith.constant 80 : i32
    %dma_start3A_180 = tpu.memref_slice %arg6[%dma_start3A_179] : memref<10000xi32, #tpu.memory_space<vmem>> -> memref<80xi32, #tpu.memory_space<vmem>>
    %dma_start3A_181 = arith.constant 0 : i32
    %dma_start3A_182 = arith.constant 0 : i32
    %dma_start3A_183 = tpu.memref_slice %arg2[%dma_start3A_181, %dma_start3A_182] : memref<10000x128xf32, #tpu.memory_space<hbm>> -> memref<10000x128xf32, #tpu.memory_space<hbm>>
    tpu.enqueue_indirect_dma source(%dma_start3A_183 : memref<10000x128xf32, #tpu.memory_space<hbm>>) target(%arg9 : memref<80x128xf32, #tpu.memory_space<vmem>>) offsets(%dma_start3A_180 : memref<80xi32, #tpu.memory_space<vmem>>) semaphore(%arg13 : memref<!tpu.dma_semaphore, #tpu.memory_space<semaphore_mem>>)
    %dma_wait3A_184 = arith.constant 80 : i32
    %dma_wait3A_185 = tpu.memref_slice %arg6[%dma_wait3A_184] : memref<10000xi32, #tpu.memory_space<vmem>> -> memref<80xi32, #tpu.memory_space<vmem>>
    %dma_wait3A_186 = arith.constant 0 : i32
    %dma_wait3A_187 = arith.constant 0 : i32
    %dma_wait3A_188 = tpu.memref_slice %arg2[%dma_wait3A_186, %dma_wait3A_187] : memref<10000x128xf32, #tpu.memory_space<hbm>> -> memref<10000x128xf32, #tpu.memory_space<hbm>>
    tpu.wait_indirect_dma semaphore(%arg13 : memref<!tpu.dma_semaphore, #tpu.memory_space<semaphore_mem>>) src(%dma_wait3A_188 : memref<10000x128xf32, #tpu.memory_space<hbm>>) dst(%arg9 : memref<80x128xf32, #tpu.memory_space<vmem>>)
    %dma_start3A_189 = arith.constant 1 : i32
    %dma_start3A_190 = arith.constant 0 : i32
    %dma_start3A_191 = tpu.memref_slice %arg7[%dma_start3A_189, %dma_start3A_190] : memref<125x80xi32, #tpu.memory_space<vmem>> -> memref<1x80xi32, #tpu.memory_space<vmem>>
    %dma_start3A_192 = tpu.memref_squeeze %dma_start3A_191 : memref<1x80xi32, #tpu.memory_space<vmem>> -> memref<80xi32, #tpu.memory_space<vmem>>
    %dma_start3A_193 = arith.constant 0 : i32
    %dma_start3A_194 = arith.constant 0 : i32
    %dma_start3A_195 = tpu.memref_slice %arg10[%dma_start3A_193, %dma_start3A_194] : memref<10240x128xf32, #tpu.memory_space<vmem_shared>> -> memref<10240x128xf32, #tpu.memory_space<vmem_shared>>
    tpu.enqueue_indirect_dma source(%arg9 : memref<80x128xf32, #tpu.memory_space<vmem>>) target(%dma_start3A_195 : memref<10240x128xf32, #tpu.memory_space<vmem_shared>>) offsets(%dma_start3A_192 : memref<80xi32, #tpu.memory_space<vmem>>) semaphore(%arg15 : memref<!tpu.dma_semaphore, #tpu.memory_space<semaphore_mem>>) {add = true}
    %dma_wait3A_196 = arith.constant 0 : i32
    %dma_wait3A_197 = arith.constant 0 : i32
    %dma_wait3A_198 = tpu.memref_slice %arg7[%dma_wait3A_196, %dma_wait3A_197] : memref<125x80xi32, #tpu.memory_space<vmem>> -> memref<1x80xi32, #tpu.memory_space<vmem>>
    %dma_wait3A_199 = tpu.memref_squeeze %dma_wait3A_198 : memref<1x80xi32, #tpu.memory_space<vmem>> -> memref<80xi32, #tpu.memory_space<vmem>>
    %dma_wait3A_200 = arith.constant 0 : i32
    %dma_wait3A_201 = arith.constant 0 : i32
    %dma_wait3A_202 = tpu.memref_slice %arg10[%dma_wait3A_200, %dma_wait3A_201] : memref<10240x128xf32, #tpu.memory_space<vmem_shared>> -> memref<10240x128xf32, #tpu.memory_space<vmem_shared>>
    tpu.wait_indirect_dma semaphore(%arg14 : memref<!tpu.dma_semaphore, #tpu.memory_space<semaphore_mem>>) src(%arg8 : memref<80x128xf32, #tpu.memory_space<vmem>>) dst(%dma_wait3A_202 : memref<10240x128xf32, #tpu.memory_space<vmem_shared>>)
    %dma_start3A_203 = arith.constant 160 : i32
    %dma_start3A_204 = tpu.memref_slice %arg6[%dma_start3A_203] : memref<10000xi32, #tpu.memory_space<vmem>> -> memref<80xi32, #tpu.memory_space<vmem>>
    %dma_start3A_205 = arith.constant 0 : i32
    %dma_start3A_206 = arith.constant 0 : i32
    %dma_start3A_207 = tpu.memref_slice %arg2[%dma_start3A_205, %dma_start3A_206] : memref<10000x128xf32, #tpu.memory_space<hbm>> -> memref<10000x128xf32, #tpu.memory_space<hbm>>
    tpu.enqueue_indirect_dma source(%dma_start3A_207 : memref<10000x128xf32, #tpu.memory_space<hbm>>) target(%arg8 : memref<80x128xf32, #tpu.memory_space<vmem>>) offsets(%dma_start3A_204 : memref<80xi32, #tpu.memory_space<vmem>>) semaphore(%arg12 : memref<!tpu.dma_semaphore, #tpu.memory_space<semaphore_mem>>)
    %scan3A_208 = arith.constant 0 : i32
    %scan3A_209 = arith.constant 1 : i32
    %scan3A_210 = arith.constant 61 : i32
    %scan3A_211 = arith.addi %scan3A_209, %scan3A_210 : i32
    %scan3A_212 = arith.constant 1 : i32
    scf.for %scan3A_245 = %scan3A_209 to %scan3A_211 step %scan3A_212  : i32 {
      %mul3A_246 = arith.constant 2 : i32
      %mul3A_247 = arith.muli %mul3A_246, %scan3A_245 : i32
      %sub3A = arith.constant 1 : i32
      %sub3A_248 = arith.subi %mul3A_247, %sub3A : i32
      %dma_wait3A_249 = arith.constant 0 : i32
      %dma_wait3A_250 = tpu.memref_slice %arg7[%sub3A_248, %dma_wait3A_249] : memref<125x80xi32, #tpu.memory_space<vmem>> -> memref<1x80xi32, #tpu.memory_space<vmem>>
      %dma_wait3A_251 = tpu.memref_squeeze %dma_wait3A_250 : memref<1x80xi32, #tpu.memory_space<vmem>> -> memref<80xi32, #tpu.memory_space<vmem>>
      %dma_wait3A_252 = arith.constant 0 : i32
      %dma_wait3A_253 = arith.constant 0 : i32
      %dma_wait3A_254 = tpu.memref_slice %arg10[%dma_wait3A_252, %dma_wait3A_253] : memref<10240x128xf32, #tpu.memory_space<vmem_shared>> -> memref<10240x128xf32, #tpu.memory_space<vmem_shared>>
      tpu.wait_indirect_dma semaphore(%arg15 : memref<!tpu.dma_semaphore, #tpu.memory_space<semaphore_mem>>) src(%arg9 : memref<80x128xf32, #tpu.memory_space<vmem>>) dst(%dma_wait3A_254 : memref<10240x128xf32, #tpu.memory_space<vmem_shared>>)
      %add3A_255 = arith.constant 1 : i32
      %add3A_256 = arith.addi %mul3A_247, %add3A_255 : i32
      %mul3A_257 = arith.constant 80 : i32
      %mul3A_258 = arith.muli %add3A_256, %mul3A_257 : i32
      %dma_start3A_259 = tpu.memref_slice %arg6[%mul3A_258] : memref<10000xi32, #tpu.memory_space<vmem>> -> memref<80xi32, #tpu.memory_space<vmem>>
      %dma_start3A_260 = arith.constant 0 : i32
      %dma_start3A_261 = arith.constant 0 : i32
      %dma_start3A_262 = tpu.memref_slice %arg2[%dma_start3A_260, %dma_start3A_261] : memref<10000x128xf32, #tpu.memory_space<hbm>> -> memref<10000x128xf32, #tpu.memory_space<hbm>>
      tpu.enqueue_indirect_dma source(%dma_start3A_262 : memref<10000x128xf32, #tpu.memory_space<hbm>>) target(%arg9 : memref<80x128xf32, #tpu.memory_space<vmem>>) offsets(%dma_start3A_259 : memref<80xi32, #tpu.memory_space<vmem>>) semaphore(%arg13 : memref<!tpu.dma_semaphore, #tpu.memory_space<semaphore_mem>>)
      %mul3A_263 = arith.constant 80 : i32
      %mul3A_264 = arith.muli %mul3A_247, %mul3A_263 : i32
      %dma_wait3A_265 = tpu.memref_slice %arg6[%mul3A_264] : memref<10000xi32, #tpu.memory_space<vmem>> -> memref<80xi32, #tpu.memory_space<vmem>>
      %dma_wait3A_266 = arith.constant 0 : i32
      %dma_wait3A_267 = arith.constant 0 : i32
      %dma_wait3A_268 = tpu.memref_slice %arg2[%dma_wait3A_266, %dma_wait3A_267] : memref<10000x128xf32, #tpu.memory_space<hbm>> -> memref<10000x128xf32, #tpu.memory_space<hbm>>
      tpu.wait_indirect_dma semaphore(%arg12 : memref<!tpu.dma_semaphore, #tpu.memory_space<semaphore_mem>>) src(%dma_wait3A_268 : memref<10000x128xf32, #tpu.memory_space<hbm>>) dst(%arg8 : memref<80x128xf32, #tpu.memory_space<vmem>>)
      %dma_start3A_269 = arith.constant 0 : i32
      %dma_start3A_270 = tpu.memref_slice %arg7[%mul3A_247, %dma_start3A_269] : memref<125x80xi32, #tpu.memory_space<vmem>> -> memref<1x80xi32, #tpu.memory_space<vmem>>
      %dma_start3A_271 = tpu.memref_squeeze %dma_start3A_270 : memref<1x80xi32, #tpu.memory_space<vmem>> -> memref<80xi32, #tpu.memory_space<vmem>>
      %dma_start3A_272 = arith.constant 0 : i32
      %dma_start3A_273 = arith.constant 0 : i32
      %dma_start3A_274 = tpu.memref_slice %arg10[%dma_start3A_272, %dma_start3A_273] : memref<10240x128xf32, #tpu.memory_space<vmem_shared>> -> memref<10240x128xf32, #tpu.memory_space<vmem_shared>>
      tpu.enqueue_indirect_dma source(%arg8 : memref<80x128xf32, #tpu.memory_space<vmem>>) target(%dma_start3A_274 : memref<10240x128xf32, #tpu.memory_space<vmem_shared>>) offsets(%dma_start3A_271 : memref<80xi32, #tpu.memory_space<vmem>>) semaphore(%arg14 : memref<!tpu.dma_semaphore, #tpu.memory_space<semaphore_mem>>) {add = true}
      %add3A_275 = arith.constant 1 : i32
      %add3A_276 = arith.addi %mul3A_247, %add3A_275 : i32
      %mul3A_277 = arith.constant 80 : i32
      %mul3A_278 = arith.muli %add3A_276, %mul3A_277 : i32
      %dma_wait3A_279 = tpu.memref_slice %arg6[%mul3A_278] : memref<10000xi32, #tpu.memory_space<vmem>> -> memref<80xi32, #tpu.memory_space<vmem>>
      %dma_wait3A_280 = arith.constant 0 : i32
      %dma_wait3A_281 = arith.constant 0 : i32
      %dma_wait3A_282 = tpu.memref_slice %arg2[%dma_wait3A_280, %dma_wait3A_281] : memref<10000x128xf32, #tpu.memory_space<hbm>> -> memref<10000x128xf32, #tpu.memory_space<hbm>>
      tpu.wait_indirect_dma semaphore(%arg13 : memref<!tpu.dma_semaphore, #tpu.memory_space<semaphore_mem>>) src(%dma_wait3A_282 : memref<10000x128xf32, #tpu.memory_space<hbm>>) dst(%arg9 : memref<80x128xf32, #tpu.memory_space<vmem>>)
      %add3A_283 = arith.constant 1 : i32
      %add3A_284 = arith.addi %mul3A_247, %add3A_283 : i32
      %dma_start3A_285 = arith.constant 0 : i32
      %dma_start3A_286 = tpu.memref_slice %arg7[%add3A_284, %dma_start3A_285] : memref<125x80xi32, #tpu.memory_space<vmem>> -> memref<1x80xi32, #tpu.memory_space<vmem>>
      %dma_start3A_287 = tpu.memref_squeeze %dma_start3A_286 : memref<1x80xi32, #tpu.memory_space<vmem>> -> memref<80xi32, #tpu.memory_space<vmem>>
      %dma_start3A_288 = arith.constant 0 : i32
      %dma_start3A_289 = arith.constant 0 : i32
      %dma_start3A_290 = tpu.memref_slice %arg10[%dma_start3A_288, %dma_start3A_289] : memref<10240x128xf32, #tpu.memory_space<vmem_shared>> -> memref<10240x128xf32, #tpu.memory_space<vmem_shared>>
      tpu.enqueue_indirect_dma source(%arg9 : memref<80x128xf32, #tpu.memory_space<vmem>>) target(%dma_start3A_290 : memref<10240x128xf32, #tpu.memory_space<vmem_shared>>) offsets(%dma_start3A_287 : memref<80xi32, #tpu.memory_space<vmem>>) semaphore(%arg15 : memref<!tpu.dma_semaphore, #tpu.memory_space<semaphore_mem>>) {add = true}
      %dma_wait3A_291 = arith.constant 0 : i32
      %dma_wait3A_292 = tpu.memref_slice %arg7[%mul3A_247, %dma_wait3A_291] : memref<125x80xi32, #tpu.memory_space<vmem>> -> memref<1x80xi32, #tpu.memory_space<vmem>>
      %dma_wait3A_293 = tpu.memref_squeeze %dma_wait3A_292 : memref<1x80xi32, #tpu.memory_space<vmem>> -> memref<80xi32, #tpu.memory_space<vmem>>
      %dma_wait3A_294 = arith.constant 0 : i32
      %dma_wait3A_295 = arith.constant 0 : i32
      %dma_wait3A_296 = tpu.memref_slice %arg10[%dma_wait3A_294, %dma_wait3A_295] : memref<10240x128xf32, #tpu.memory_space<vmem_shared>> -> memref<10240x128xf32, #tpu.memory_space<vmem_shared>>
      tpu.wait_indirect_dma semaphore(%arg14 : memref<!tpu.dma_semaphore, #tpu.memory_space<semaphore_mem>>) src(%arg8 : memref<80x128xf32, #tpu.memory_space<vmem>>) dst(%dma_wait3A_296 : memref<10240x128xf32, #tpu.memory_space<vmem_shared>>)
      %add3A_297 = arith.constant 2 : i32
      %add3A_298 = arith.addi %mul3A_247, %add3A_297 : i32
      %mul3A_299 = arith.constant 80 : i32
      %mul3A_300 = arith.muli %add3A_298, %mul3A_299 : i32
      %dma_start3A_301 = tpu.memref_slice %arg6[%mul3A_300] : memref<10000xi32, #tpu.memory_space<vmem>> -> memref<80xi32, #tpu.memory_space<vmem>>
      %dma_start3A_302 = arith.constant 0 : i32
      %dma_start3A_303 = arith.constant 0 : i32
      %dma_start3A_304 = tpu.memref_slice %arg2[%dma_start3A_302, %dma_start3A_303] : memref<10000x128xf32, #tpu.memory_space<hbm>> -> memref<10000x128xf32, #tpu.memory_space<hbm>>
      tpu.enqueue_indirect_dma source(%dma_start3A_304 : memref<10000x128xf32, #tpu.memory_space<hbm>>) target(%arg8 : memref<80x128xf32, #tpu.memory_space<vmem>>) offsets(%dma_start3A_301 : memref<80xi32, #tpu.memory_space<vmem>>) semaphore(%arg12 : memref<!tpu.dma_semaphore, #tpu.memory_space<semaphore_mem>>)
    }
    %scan3A_213 = arith.constant 61 : i32
    %dma_wait3A_214 = arith.constant 9920 : i32
    %dma_wait3A_215 = tpu.memref_slice %arg6[%dma_wait3A_214] : memref<10000xi32, #tpu.memory_space<vmem>> -> memref<80xi32, #tpu.memory_space<vmem>>
    %dma_wait3A_216 = arith.constant 0 : i32
    %dma_wait3A_217 = arith.constant 0 : i32
    %dma_wait3A_218 = tpu.memref_slice %arg2[%dma_wait3A_216, %dma_wait3A_217] : memref<10000x128xf32, #tpu.memory_space<hbm>> -> memref<10000x128xf32, #tpu.memory_space<hbm>>
    tpu.wait_indirect_dma semaphore(%arg12 : memref<!tpu.dma_semaphore, #tpu.memory_space<semaphore_mem>>) src(%dma_wait3A_218 : memref<10000x128xf32, #tpu.memory_space<hbm>>) dst(%arg8 : memref<80x128xf32, #tpu.memory_space<vmem>>)
    %dma_start3A_219 = arith.constant 124 : i32
    %dma_start3A_220 = arith.constant 0 : i32
    %dma_start3A_221 = tpu.memref_slice %arg7[%dma_start3A_219, %dma_start3A_220] : memref<125x80xi32, #tpu.memory_space<vmem>> -> memref<1x80xi32, #tpu.memory_space<vmem>>
    %dma_start3A_222 = tpu.memref_squeeze %dma_start3A_221 : memref<1x80xi32, #tpu.memory_space<vmem>> -> memref<80xi32, #tpu.memory_space<vmem>>
    %dma_start3A_223 = arith.constant 0 : i32
    %dma_start3A_224 = arith.constant 0 : i32
    %dma_start3A_225 = tpu.memref_slice %arg10[%dma_start3A_223, %dma_start3A_224] : memref<10240x128xf32, #tpu.memory_space<vmem_shared>> -> memref<10240x128xf32, #tpu.memory_space<vmem_shared>>
    tpu.enqueue_indirect_dma source(%arg8 : memref<80x128xf32, #tpu.memory_space<vmem>>) target(%dma_start3A_225 : memref<10240x128xf32, #tpu.memory_space<vmem_shared>>) offsets(%dma_start3A_222 : memref<80xi32, #tpu.memory_space<vmem>>) semaphore(%arg14 : memref<!tpu.dma_semaphore, #tpu.memory_space<semaphore_mem>>) {add = true}
    %dma_wait3A_226 = arith.constant 123 : i32
    %dma_wait3A_227 = arith.constant 0 : i32
    %dma_wait3A_228 = tpu.memref_slice %arg7[%dma_wait3A_226, %dma_wait3A_227] : memref<125x80xi32, #tpu.memory_space<vmem>> -> memref<1x80xi32, #tpu.memory_space<vmem>>
    %dma_wait3A_229 = tpu.memref_squeeze %dma_wait3A_228 : memref<1x80xi32, #tpu.memory_space<vmem>> -> memref<80xi32, #tpu.memory_space<vmem>>
    %dma_wait3A_230 = arith.constant 0 : i32
    %dma_wait3A_231 = arith.constant 0 : i32
    %dma_wait3A_232 = tpu.memref_slice %arg10[%dma_wait3A_230, %dma_wait3A_231] : memref<10240x128xf32, #tpu.memory_space<vmem_shared>> -> memref<10240x128xf32, #tpu.memory_space<vmem_shared>>
    tpu.wait_indirect_dma semaphore(%arg15 : memref<!tpu.dma_semaphore, #tpu.memory_space<semaphore_mem>>) src(%arg9 : memref<80x128xf32, #tpu.memory_space<vmem>>) dst(%dma_wait3A_232 : memref<10240x128xf32, #tpu.memory_space<vmem_shared>>)
    %dma_wait3A_233 = arith.constant 124 : i32
    %dma_wait3A_234 = arith.constant 0 : i32
    %dma_wait3A_235 = tpu.memref_slice %arg7[%dma_wait3A_233, %dma_wait3A_234] : memref<125x80xi32, #tpu.memory_space<vmem>> -> memref<1x80xi32, #tpu.memory_space<vmem>>
    %dma_wait3A_236 = tpu.memref_squeeze %dma_wait3A_235 : memref<1x80xi32, #tpu.memory_space<vmem>> -> memref<80xi32, #tpu.memory_space<vmem>>
    %dma_wait3A_237 = arith.constant 0 : i32
    %dma_wait3A_238 = arith.constant 0 : i32
    %dma_wait3A_239 = tpu.memref_slice %arg10[%dma_wait3A_237, %dma_wait3A_238] : memref<10240x128xf32, #tpu.memory_space<vmem_shared>> -> memref<10240x128xf32, #tpu.memory_space<vmem_shared>>
    tpu.wait_indirect_dma semaphore(%arg14 : memref<!tpu.dma_semaphore, #tpu.memory_space<semaphore_mem>>) src(%arg8 : memref<80x128xf32, #tpu.memory_space<vmem>>) dst(%dma_wait3A_239 : memref<10240x128xf32, #tpu.memory_space<vmem_shared>>)
    %barrier3A_240 = arith.constant 0 : index
    tpu.barrier barrier_id(%barrier3A_240)
    %mul3A_241 = arith.constant 640 : i32
    %mul3A_242 = arith.muli %arg1, %mul3A_241 : i32
    %mul3A_243 = arith.constant 640 : i32
    %mul3A_244 = arith.muli %arg1, %mul3A_243 : i32
    "tpu.region"() ({
      %run_scoped3A = tpu.sem_alloc : memref<!tpu.dma_semaphore, #tpu.memory_space<semaphore_mem>>
      %dma_start3A_245 = arith.constant 0 : i32
      %dma_start3A_246 = tpu.memref_slice %arg5[%arg0, %mul3A_244, %dma_start3A_245] : memref<2x10240x128xf32, #tpu.memory_space<hbm>> -> memref<1x640x128xf32, #tpu.memory_space<hbm>>
      %dma_start3A_247 = tpu.memref_squeeze %dma_start3A_246 : memref<1x640x128xf32, #tpu.memory_space<hbm>> -> memref<640x128xf32, #tpu.memory_space<hbm>>
      %dma_start3A_248 = arith.constant 0 : i32
      %dma_start3A_249 = tpu.memref_slice %arg10[%mul3A_242, %dma_start3A_248] : memref<10240x128xf32, #tpu.memory_space<vmem_shared>> -> memref<640x128xf32, #tpu.memory_space<vmem_shared>>
      tpu.enqueue_dma source(%dma_start3A_249 : memref<640x128xf32, #tpu.memory_space<vmem_shared>>) target(%dma_start3A_247 : memref<640x128xf32, #tpu.memory_space<hbm>>) target_semaphore(%run_scoped3A : memref<!tpu.dma_semaphore, #tpu.memory_space<semaphore_mem>>)
      %dma_wait3A_250 = arith.constant 0 : i32
      %dma_wait3A_251 = tpu.memref_slice %arg5[%arg0, %mul3A_244, %dma_wait3A_250] : memref<2x10240x128xf32, #tpu.memory_space<hbm>> -> memref<1x640x128xf32, #tpu.memory_space<hbm>>
      %dma_wait3A_252 = tpu.memref_squeeze %dma_wait3A_251 : memref<1x640x128xf32, #tpu.memory_space<hbm>> -> memref<640x128xf32, #tpu.memory_space<hbm>>
      %dma_wait3A_253 = arith.constant 0 : i32
      %dma_wait3A_254 = tpu.memref_slice %arg10[%mul3A_242, %dma_wait3A_253] : memref<10240x128xf32, #tpu.memory_space<vmem_shared>> -> memref<640x128xf32, #tpu.memory_space<vmem_shared>>
      tpu.wait_dma2 semaphore(%run_scoped3A : memref<!tpu.dma_semaphore, #tpu.memory_space<semaphore_mem>>) src(%dma_wait3A_254 : memref<640x128xf32, #tpu.memory_space<vmem_shared>>) dst(%dma_wait3A_252 : memref<640x128xf32, #tpu.memory_space<hbm>>)
      tpu.yield
    }) : () -> ()
    return
  }
}

#map = affine_map<(d0, d1) -> (0, 0, 0)>
#map1 = affine_map<(d0, d1) -> (0, 0)>
module attributes {stable_mosaic.version = 14 : i64} {
  func.func @_deg_kernel_body(%arg0: i32, %arg1: i32, %arg2: memref<64x125x80xi32, #tpu.memory_space<hbm>>, %arg3: memref<2x10240xf32, #tpu.memory_space<hbm>>, %arg4: memref<125x80xi32, #tpu.memory_space<vmem>>, %arg5: memref<80xf32, #tpu.memory_space<vmem>>, %arg6: memref<640xf32, #tpu.memory_space<vmem>>, %arg7: memref<10240xf32, #tpu.memory_space<vmem_shared>>, %arg8: memref<!tpu.dma_semaphore, #tpu.memory_space<semaphore_mem>>, %arg9: memref<!tpu.dma_semaphore, #tpu.memory_space<semaphore_mem>>) attributes {dimension_semantics = [#tpu.dimension_semantics<core_parallel>, #tpu.dimension_semantics<subcore_parallel>], iteration_bounds = array<i64: 2, 16>, scalar_prefetch = 0 : i64, scratch_operands = 6 : i64, tpu.core_type = #tpu.core_type<sc_vector_subcore>, window_params = [{transform_indices = #map}, {transform_indices = #map1}]} {
    %mul3A = arith.constant 16 : i32
    %mul3A_0 = arith.muli %arg0, %mul3A : i32
    %add3A = arith.addi %mul3A_0, %arg1 : i32
    %add3A_1 = arith.constant 32 : i32
    %add3A_2 = arith.addi %add3A_1, %add3A : i32
    %dma_start3A = arith.constant 0 : i32
    %dma_start3A_3 = arith.constant 0 : i32
    %dma_start3A_4 = tpu.memref_slice %arg2[%add3A_2, %dma_start3A, %dma_start3A_3] : memref<64x125x80xi32, #tpu.memory_space<hbm>> -> memref<1x125x80xi32, #tpu.memory_space<hbm>>
    %dma_start3A_5 = tpu.memref_squeeze %dma_start3A_4 : memref<1x125x80xi32, #tpu.memory_space<hbm>> -> memref<125x80xi32, #tpu.memory_space<hbm>>
    %dma_start3A_6 = arith.constant 0 : i32
    %dma_start3A_7 = arith.constant 0 : i32
    %dma_start3A_8 = tpu.memref_slice %arg2[%add3A_2, %dma_start3A_6, %dma_start3A_7] : memref<64x125x80xi32, #tpu.memory_space<hbm>> -> memref<1x125x80xi32, #tpu.memory_space<hbm>>
    %dma_start3A_9 = tpu.memref_squeeze %dma_start3A_8 : memref<1x125x80xi32, #tpu.memory_space<hbm>> -> memref<125x80xi32, #tpu.memory_space<hbm>>
    tpu.enqueue_dma source(%dma_start3A_9 : memref<125x80xi32, #tpu.memory_space<hbm>>) target(%arg4 : memref<125x80xi32, #tpu.memory_space<vmem>>) target_semaphore(%arg8 : memref<!tpu.dma_semaphore, #tpu.memory_space<semaphore_mem>>)
    %dma_wait3A = arith.constant 0 : i32
    %dma_wait3A_10 = arith.constant 0 : i32
    %dma_wait3A_11 = tpu.memref_slice %arg2[%add3A_2, %dma_wait3A, %dma_wait3A_10] : memref<64x125x80xi32, #tpu.memory_space<hbm>> -> memref<1x125x80xi32, #tpu.memory_space<hbm>>
    %dma_wait3A_12 = tpu.memref_squeeze %dma_wait3A_11 : memref<1x125x80xi32, #tpu.memory_space<hbm>> -> memref<125x80xi32, #tpu.memory_space<hbm>>
    %dma_wait3A_13 = arith.constant 0 : i32
    %dma_wait3A_14 = arith.constant 0 : i32
    %dma_wait3A_15 = tpu.memref_slice %arg2[%add3A_2, %dma_wait3A_13, %dma_wait3A_14] : memref<64x125x80xi32, #tpu.memory_space<hbm>> -> memref<1x125x80xi32, #tpu.memory_space<hbm>>
    %dma_wait3A_16 = tpu.memref_squeeze %dma_wait3A_15 : memref<1x125x80xi32, #tpu.memory_space<hbm>> -> memref<125x80xi32, #tpu.memory_space<hbm>>
    tpu.wait_dma2 semaphore(%arg8 : memref<!tpu.dma_semaphore, #tpu.memory_space<semaphore_mem>>) src(%dma_wait3A_16 : memref<125x80xi32, #tpu.memory_space<hbm>>) dst(%arg4 : memref<125x80xi32, #tpu.memory_space<vmem>>)
    %scan3A = arith.constant 0 : i32
    %scan3A_17 = arith.constant 0 : i32
    %scan3A_18 = arith.constant 40 : i32
    %scan3A_19 = arith.addi %scan3A_17, %scan3A_18 : i32
    %scan3A_20 = arith.constant 8 : i32
    scf.for %scan3A_75 = %scan3A_17 to %scan3A_19 step %scan3A_20  : i32 {
      %broadcast_in_dim3A_76 = arith.constant 0.000000e+00 : f32
      %broadcast_in_dim3A_77 = vector.broadcast %broadcast_in_dim3A_76 : f32 to vector<16xf32>
      %mul3A_78 = arith.constant 16 : i32
      %mul3A_79 = arith.muli %scan3A_75, %mul3A_78 : i32
      %swap3A_80 = arith.index_cast %mul3A_79 : i32 to index
      %swap3A_81 = tpu.vector_load %arg6[%swap3A_80] {strides = array<i32>} : memref<640xf32, #tpu.memory_space<vmem>>, vector<16xf32>,
      %swap3A_82 = vector.shape_cast %swap3A_81 : vector<16xf32> to vector<16xf32>
      %swap3A_83 = vector.shape_cast %broadcast_in_dim3A_77 : vector<16xf32> to vector<16xf32>
      tpu.vector_store %arg6[%swap3A_80], %swap3A_83 {strides = array<i32>} : memref<640xf32, #tpu.memory_space<vmem>>, vector<16xf32>,
      %scan3A_84 = arith.constant 1 : i32
      %scan3A_85 = arith.addi %scan3A_75, %scan3A_84 : i32
      %broadcast_in_dim3A_86 = arith.constant 0.000000e+00 : f32
      %broadcast_in_dim3A_87 = vector.broadcast %broadcast_in_dim3A_86 : f32 to vector<16xf32>
      %mul3A_88 = arith.constant 16 : i32
      %mul3A_89 = arith.muli %scan3A_85, %mul3A_88 : i32
      %swap3A_90 = arith.index_cast %mul3A_89 : i32 to index
      %swap3A_91 = tpu.vector_load %arg6[%swap3A_90] {strides = array<i32>} : memref<640xf32, #tpu.memory_space<vmem>>, vector<16xf32>,
      %swap3A_92 = vector.shape_cast %swap3A_91 : vector<16xf32> to vector<16xf32>
      %swap3A_93 = vector.shape_cast %broadcast_in_dim3A_87 : vector<16xf32> to vector<16xf32>
      tpu.vector_store %arg6[%swap3A_90], %swap3A_93 {strides = array<i32>} : memref<640xf32, #tpu.memory_space<vmem>>, vector<16xf32>,
      %scan3A_94 = arith.constant 2 : i32
      %scan3A_95 = arith.addi %scan3A_75, %scan3A_94 : i32
      %broadcast_in_dim3A_96 = arith.constant 0.000000e+00 : f32
      %broadcast_in_dim3A_97 = vector.broadcast %broadcast_in_dim3A_96 : f32 to vector<16xf32>
      %mul3A_98 = arith.constant 16 : i32
      %mul3A_99 = arith.muli %scan3A_95, %mul3A_98 : i32
      %swap3A_100 = arith.index_cast %mul3A_99 : i32 to index
      %swap3A_101 = tpu.vector_load %arg6[%swap3A_100] {strides = array<i32>} : memref<640xf32, #tpu.memory_space<vmem>>, vector<16xf32>,
      %swap3A_102 = vector.shape_cast %swap3A_101 : vector<16xf32> to vector<16xf32>
      %swap3A_103 = vector.shape_cast %broadcast_in_dim3A_97 : vector<16xf32> to vector<16xf32>
      tpu.vector_store %arg6[%swap3A_100], %swap3A_103 {strides = array<i32>} : memref<640xf32, #tpu.memory_space<vmem>>, vector<16xf32>,
      %scan3A_104 = arith.constant 3 : i32
      %scan3A_105 = arith.addi %scan3A_75, %scan3A_104 : i32
      %broadcast_in_dim3A_106 = arith.constant 0.000000e+00 : f32
      %broadcast_in_dim3A_107 = vector.broadcast %broadcast_in_dim3A_106 : f32 to vector<16xf32>
      %mul3A_108 = arith.constant 16 : i32
      %mul3A_109 = arith.muli %scan3A_105, %mul3A_108 : i32
      %swap3A_110 = arith.index_cast %mul3A_109 : i32 to index
      %swap3A_111 = tpu.vector_load %arg6[%swap3A_110] {strides = array<i32>} : memref<640xf32, #tpu.memory_space<vmem>>, vector<16xf32>,
      %swap3A_112 = vector.shape_cast %swap3A_111 : vector<16xf32> to vector<16xf32>
      %swap3A_113 = vector.shape_cast %broadcast_in_dim3A_107 : vector<16xf32> to vector<16xf32>
      tpu.vector_store %arg6[%swap3A_110], %swap3A_113 {strides = array<i32>} : memref<640xf32, #tpu.memory_space<vmem>>, vector<16xf32>,
      %scan3A_114 = arith.constant 4 : i32
      %scan3A_115 = arith.addi %scan3A_75, %scan3A_114 : i32
      %broadcast_in_dim3A_116 = arith.constant 0.000000e+00 : f32
      %broadcast_in_dim3A_117 = vector.broadcast %broadcast_in_dim3A_116 : f32 to vector<16xf32>
      %mul3A_118 = arith.constant 16 : i32
      %mul3A_119 = arith.muli %scan3A_115, %mul3A_118 : i32
      %swap3A_120 = arith.index_cast %mul3A_119 : i32 to index
      %swap3A_121 = tpu.vector_load %arg6[%swap3A_120] {strides = array<i32>} : memref<640xf32, #tpu.memory_space<vmem>>, vector<16xf32>,
      %swap3A_122 = vector.shape_cast %swap3A_121 : vector<16xf32> to vector<16xf32>
      %swap3A_123 = vector.shape_cast %broadcast_in_dim3A_117 : vector<16xf32> to vector<16xf32>
      tpu.vector_store %arg6[%swap3A_120], %swap3A_123 {strides = array<i32>} : memref<640xf32, #tpu.memory_space<vmem>>, vector<16xf32>,
      %scan3A_124 = arith.constant 5 : i32
      %scan3A_125 = arith.addi %scan3A_75, %scan3A_124 : i32
      %broadcast_in_dim3A_126 = arith.constant 0.000000e+00 : f32
      %broadcast_in_dim3A_127 = vector.broadcast %broadcast_in_dim3A_126 : f32 to vector<16xf32>
      %mul3A_128 = arith.constant 16 : i32
      %mul3A_129 = arith.muli %scan3A_125, %mul3A_128 : i32
      %swap3A_130 = arith.index_cast %mul3A_129 : i32 to index
      %swap3A_131 = tpu.vector_load %arg6[%swap3A_130] {strides = array<i32>} : memref<640xf32, #tpu.memory_space<vmem>>, vector<16xf32>,
      %swap3A_132 = vector.shape_cast %swap3A_131 : vector<16xf32> to vector<16xf32>
      %swap3A_133 = vector.shape_cast %broadcast_in_dim3A_127 : vector<16xf32> to vector<16xf32>
      tpu.vector_store %arg6[%swap3A_130], %swap3A_133 {strides = array<i32>} : memref<640xf32, #tpu.memory_space<vmem>>, vector<16xf32>,
      %scan3A_134 = arith.constant 6 : i32
      %scan3A_135 = arith.addi %scan3A_75, %scan3A_134 : i32
      %broadcast_in_dim3A_136 = arith.constant 0.000000e+00 : f32
      %broadcast_in_dim3A_137 = vector.broadcast %broadcast_in_dim3A_136 : f32 to vector<16xf32>
      %mul3A_138 = arith.constant 16 : i32
      %mul3A_139 = arith.muli %scan3A_135, %mul3A_138 : i32
      %swap3A_140 = arith.index_cast %mul3A_139 : i32 to index
      %swap3A_141 = tpu.vector_load %arg6[%swap3A_140] {strides = array<i32>} : memref<640xf32, #tpu.memory_space<vmem>>, vector<16xf32>,
      %swap3A_142 = vector.shape_cast %swap3A_141 : vector<16xf32> to vector<16xf32>
      %swap3A_143 = vector.shape_cast %broadcast_in_dim3A_137 : vector<16xf32> to vector<16xf32>
      tpu.vector_store %arg6[%swap3A_140], %swap3A_143 {strides = array<i32>} : memref<640xf32, #tpu.memory_space<vmem>>, vector<16xf32>,
      %scan3A_144 = arith.constant 7 : i32
      %scan3A_145 = arith.addi %scan3A_75, %scan3A_144 : i32
      %broadcast_in_dim3A_146 = arith.constant 0.000000e+00 : f32
      %broadcast_in_dim3A_147 = vector.broadcast %broadcast_in_dim3A_146 : f32 to vector<16xf32>
      %mul3A_148 = arith.constant 16 : i32
      %mul3A_149 = arith.muli %scan3A_145, %mul3A_148 : i32
      %swap3A_150 = arith.index_cast %mul3A_149 : i32 to index
      %swap3A_151 = tpu.vector_load %arg6[%swap3A_150] {strides = array<i32>} : memref<640xf32, #tpu.memory_space<vmem>>, vector<16xf32>,
      %swap3A_152 = vector.shape_cast %swap3A_151 : vector<16xf32> to vector<16xf32>
      %swap3A_153 = vector.shape_cast %broadcast_in_dim3A_147 : vector<16xf32> to vector<16xf32>
      tpu.vector_store %arg6[%swap3A_150], %swap3A_153 {strides = array<i32>} : memref<640xf32, #tpu.memory_space<vmem>>, vector<16xf32>,
    }
    %scan3A_21 = arith.constant 40 : i32
    %mul3A_22 = arith.constant 640 : i32
    %mul3A_23 = arith.muli %arg1, %mul3A_22 : i32
    "tpu.region"() ({
      %run_scoped3A = tpu.sem_alloc : memref<!tpu.dma_semaphore, #tpu.memory_space<semaphore_mem>>
      %dma_start3A_75 = tpu.memref_slice %arg7[%mul3A_23] : memref<10240xf32, #tpu.memory_space<vmem_shared>> -> memref<640xf32, #tpu.memory_space<vmem_shared>>
      %dma_start3A_76 = tpu.memref_slice %arg7[%mul3A_23] : memref<10240xf32, #tpu.memory_space<vmem_shared>> -> memref<640xf32, #tpu.memory_space<vmem_shared>>
      tpu.enqueue_dma source(%arg6 : memref<640xf32, #tpu.memory_space<vmem>>) target(%dma_start3A_76 : memref<640xf32, #tpu.memory_space<vmem_shared>>) target_semaphore(%run_scoped3A : memref<!tpu.dma_semaphore, #tpu.memory_space<semaphore_mem>>)
      %dma_wait3A_77 = tpu.memref_slice %arg7[%mul3A_23] : memref<10240xf32, #tpu.memory_space<vmem_shared>> -> memref<640xf32, #tpu.memory_space<vmem_shared>>
      %dma_wait3A_78 = tpu.memref_slice %arg7[%mul3A_23] : memref<10240xf32, #tpu.memory_space<vmem_shared>> -> memref<640xf32, #tpu.memory_space<vmem_shared>>
      tpu.wait_dma2 semaphore(%run_scoped3A : memref<!tpu.dma_semaphore, #tpu.memory_space<semaphore_mem>>) src(%arg6 : memref<640xf32, #tpu.memory_space<vmem>>) dst(%dma_wait3A_78 : memref<640xf32, #tpu.memory_space<vmem_shared>>)
      tpu.yield
    }) : () -> ()
    %broadcast_in_dim3A = arith.constant 1.000000e+00 : f32
    %broadcast_in_dim3A_24 = vector.broadcast %broadcast_in_dim3A : f32 to vector<16xf32>
    %swap3A = arith.constant 0 : index
    %swap3A_25 = tpu.vector_load %arg5[%swap3A] {strides = array<i32>} : memref<80xf32, #tpu.memory_space<vmem>>, vector<16xf32>,
    %swap3A_26 = vector.shape_cast %swap3A_25 : vector<16xf32> to vector<16xf32>
    %swap3A_27 = vector.shape_cast %broadcast_in_dim3A_24 : vector<16xf32> to vector<16xf32>
    tpu.vector_store %arg5[%swap3A], %swap3A_27 {strides = array<i32>} : memref<80xf32, #tpu.memory_space<vmem>>, vector<16xf32>,
    %broadcast_in_dim3A_28 = arith.constant 1.000000e+00 : f32
    %broadcast_in_dim3A_29 = vector.broadcast %broadcast_in_dim3A_28 : f32 to vector<16xf32>
    %swap3A_30 = arith.constant 16 : index
    %swap3A_31 = tpu.vector_load %arg5[%swap3A_30] {strides = array<i32>} : memref<80xf32, #tpu.memory_space<vmem>>, vector<16xf32>,
    %swap3A_32 = vector.shape_cast %swap3A_31 : vector<16xf32> to vector<16xf32>
    %swap3A_33 = vector.shape_cast %broadcast_in_dim3A_29 : vector<16xf32> to vector<16xf32>
    tpu.vector_store %arg5[%swap3A_30], %swap3A_33 {strides = array<i32>} : memref<80xf32, #tpu.memory_space<vmem>>, vector<16xf32>,
    %broadcast_in_dim3A_34 = arith.constant 1.000000e+00 : f32
    %broadcast_in_dim3A_35 = vector.broadcast %broadcast_in_dim3A_34 : f32 to vector<16xf32>
    %swap3A_36 = arith.constant 32 : index
    %swap3A_37 = tpu.vector_load %arg5[%swap3A_36] {strides = array<i32>} : memref<80xf32, #tpu.memory_space<vmem>>, vector<16xf32>,
    %swap3A_38 = vector.shape_cast %swap3A_37 : vector<16xf32> to vector<16xf32>
    %swap3A_39 = vector.shape_cast %broadcast_in_dim3A_35 : vector<16xf32> to vector<16xf32>
    tpu.vector_store %arg5[%swap3A_36], %swap3A_39 {strides = array<i32>} : memref<80xf32, #tpu.memory_space<vmem>>, vector<16xf32>,
    %broadcast_in_dim3A_40 = arith.constant 1.000000e+00 : f32
    %broadcast_in_dim3A_41 = vector.broadcast %broadcast_in_dim3A_40 : f32 to vector<16xf32>
    %swap3A_42 = arith.constant 48 : index
    %swap3A_43 = tpu.vector_load %arg5[%swap3A_42] {strides = array<i32>} : memref<80xf32, #tpu.memory_space<vmem>>, vector<16xf32>,
    %swap3A_44 = vector.shape_cast %swap3A_43 : vector<16xf32> to vector<16xf32>
    %swap3A_45 = vector.shape_cast %broadcast_in_dim3A_41 : vector<16xf32> to vector<16xf32>
    tpu.vector_store %arg5[%swap3A_42], %swap3A_45 {strides = array<i32>} : memref<80xf32, #tpu.memory_space<vmem>>, vector<16xf32>,
    %broadcast_in_dim3A_46 = arith.constant 1.000000e+00 : f32
    %broadcast_in_dim3A_47 = vector.broadcast %broadcast_in_dim3A_46 : f32 to vector<16xf32>
    %swap3A_48 = arith.constant 64 : index
    %swap3A_49 = tpu.vector_load %arg5[%swap3A_48] {strides = array<i32>} : memref<80xf32, #tpu.memory_space<vmem>>, vector<16xf32>,
    %swap3A_50 = vector.shape_cast %swap3A_49 : vector<16xf32> to vector<16xf32>
    %swap3A_51 = vector.shape_cast %broadcast_in_dim3A_47 : vector<16xf32> to vector<16xf32>
    tpu.vector_store %arg5[%swap3A_48], %swap3A_51 {strides = array<i32>} : memref<80xf32, #tpu.memory_space<vmem>>, vector<16xf32>,
    %barrier3A = arith.constant 0 : index
    tpu.barrier barrier_id(%barrier3A)
    %dma_start3A_52 = arith.constant 0 : i32
    %dma_start3A_53 = arith.constant 0 : i32
    %dma_start3A_54 = tpu.memref_slice %arg4[%dma_start3A_52, %dma_start3A_53] : memref<125x80xi32, #tpu.memory_space<vmem>> -> memref<1x80xi32, #tpu.memory_space<vmem>>
    %dma_start3A_55 = tpu.memref_squeeze %dma_start3A_54 : memref<1x80xi32, #tpu.memory_space<vmem>> -> memref<80xi32, #tpu.memory_space<vmem>>
    %dma_start3A_56 = arith.constant 0 : i32
    %dma_start3A_57 = tpu.memref_slice %arg7[%dma_start3A_56] : memref<10240xf32, #tpu.memory_space<vmem_shared>> -> memref<10240xf32, #tpu.memory_space<vmem_shared>>
    tpu.enqueue_indirect_dma source(%arg5 : memref<80xf32, #tpu.memory_space<vmem>>) target(%dma_start3A_57 : memref<10240xf32, #tpu.memory_space<vmem_shared>>) offsets(%dma_start3A_55 : memref<80xi32, #tpu.memory_space<vmem>>) semaphore(%arg8 : memref<!tpu.dma_semaphore, #tpu.memory_space<semaphore_mem>>) {add = true}
    %scan3A_58 = arith.constant 0 : i32
    %scan3A_59 = arith.constant 0 : i32
    %scan3A_60 = arith.constant 62 : i32
    %scan3A_61 = arith.addi %scan3A_59, %scan3A_60 : i32
    %scan3A_62 = arith.constant 1 : i32
    scf.for %scan3A_75 = %scan3A_59 to %scan3A_61 step %scan3A_62  : i32 {
      %mul3A_76 = arith.constant 2 : i32
      %mul3A_77 = arith.muli %mul3A_76, %scan3A_75 : i32
      %add3A_78 = arith.constant 1 : i32
      %add3A_79 = arith.addi %mul3A_77, %add3A_78 : i32
      %dma_start3A_80 = arith.constant 0 : i32
      %dma_start3A_81 = tpu.memref_slice %arg4[%add3A_79, %dma_start3A_80] : memref<125x80xi32, #tpu.memory_space<vmem>> -> memref<1x80xi32, #tpu.memory_space<vmem>>
      %dma_start3A_82 = tpu.memref_squeeze %dma_start3A_81 : memref<1x80xi32, #tpu.memory_space<vmem>> -> memref<80xi32, #tpu.memory_space<vmem>>
      %dma_start3A_83 = arith.constant 0 : i32
      %dma_start3A_84 = tpu.memref_slice %arg7[%dma_start3A_83] : memref<10240xf32, #tpu.memory_space<vmem_shared>> -> memref<10240xf32, #tpu.memory_space<vmem_shared>>
      tpu.enqueue_indirect_dma source(%arg5 : memref<80xf32, #tpu.memory_space<vmem>>) target(%dma_start3A_84 : memref<10240xf32, #tpu.memory_space<vmem_shared>>) offsets(%dma_start3A_82 : memref<80xi32, #tpu.memory_space<vmem>>) semaphore(%arg9 : memref<!tpu.dma_semaphore, #tpu.memory_space<semaphore_mem>>) {add = true}
      %dma_wait3A_85 = arith.constant 0 : i32
      %dma_wait3A_86 = arith.constant 0 : i32
      %dma_wait3A_87 = tpu.memref_slice %arg4[%dma_wait3A_85, %dma_wait3A_86] : memref<125x80xi32, #tpu.memory_space<vmem>> -> memref<1x80xi32, #tpu.memory_space<vmem>>
      %dma_wait3A_88 = tpu.memref_squeeze %dma_wait3A_87 : memref<1x80xi32, #tpu.memory_space<vmem>> -> memref<80xi32, #tpu.memory_space<vmem>>
      %dma_wait3A_89 = arith.constant 0 : i32
      %dma_wait3A_90 = tpu.memref_slice %arg7[%dma_wait3A_89] : memref<10240xf32, #tpu.memory_space<vmem_shared>> -> memref<10240xf32, #tpu.memory_space<vmem_shared>>
      tpu.wait_indirect_dma semaphore(%arg8 : memref<!tpu.dma_semaphore, #tpu.memory_space<semaphore_mem>>) src(%arg5 : memref<80xf32, #tpu.memory_space<vmem>>) dst(%dma_wait3A_90 : memref<10240xf32, #tpu.memory_space<vmem_shared>>)
      %add3A_91 = arith.constant 1 : i32
      %add3A_92 = arith.addi %add3A_79, %add3A_91 : i32
      %dma_start3A_93 = arith.constant 0 : i32
      %dma_start3A_94 = tpu.memref_slice %arg4[%add3A_92, %dma_start3A_93] : memref<125x80xi32, #tpu.memory_space<vmem>> -> memref<1x80xi32, #tpu.memory_space<vmem>>
      %dma_start3A_95 = tpu.memref_squeeze %dma_start3A_94 : memref<1x80xi32, #tpu.memory_space<vmem>> -> memref<80xi32, #tpu.memory_space<vmem>>
      %dma_start3A_96 = arith.constant 0 : i32
      %dma_start3A_97 = tpu.memref_slice %arg7[%dma_start3A_96] : memref<10240xf32, #tpu.memory_space<vmem_shared>> -> memref<10240xf32, #tpu.memory_space<vmem_shared>>
      tpu.enqueue_indirect_dma source(%arg5 : memref<80xf32, #tpu.memory_space<vmem>>) target(%dma_start3A_97 : memref<10240xf32, #tpu.memory_space<vmem_shared>>) offsets(%dma_start3A_95 : memref<80xi32, #tpu.memory_space<vmem>>) semaphore(%arg8 : memref<!tpu.dma_semaphore, #tpu.memory_space<semaphore_mem>>) {add = true}
      %dma_wait3A_98 = arith.constant 0 : i32
      %dma_wait3A_99 = arith.constant 0 : i32
      %dma_wait3A_100 = tpu.memref_slice %arg4[%dma_wait3A_98, %dma_wait3A_99] : memref<125x80xi32, #tpu.memory_space<vmem>> -> memref<1x80xi32, #tpu.memory_space<vmem>>
      %dma_wait3A_101 = tpu.memref_squeeze %dma_wait3A_100 : memref<1x80xi32, #tpu.memory_space<vmem>> -> memref<80xi32, #tpu.memory_space<vmem>>
      %dma_wait3A_102 = arith.constant 0 : i32
      %dma_wait3A_103 = tpu.memref_slice %arg7[%dma_wait3A_102] : memref<10240xf32, #tpu.memory_space<vmem_shared>> -> memref<10240xf32, #tpu.memory_space<vmem_shared>>
      tpu.wait_indirect_dma semaphore(%arg9 : memref<!tpu.dma_semaphore, #tpu.memory_space<semaphore_mem>>) src(%arg5 : memref<80xf32, #tpu.memory_space<vmem>>) dst(%dma_wait3A_103 : memref<10240xf32, #tpu.memory_space<vmem_shared>>)
    }
    %scan3A_63 = arith.constant 62 : i32
    %dma_wait3A_64 = arith.constant 0 : i32
    %dma_wait3A_65 = arith.constant 0 : i32
    %dma_wait3A_66 = tpu.memref_slice %arg4[%dma_wait3A_64, %dma_wait3A_65] : memref<125x80xi32, #tpu.memory_space<vmem>> -> memref<1x80xi32, #tpu.memory_space<vmem>>
    %dma_wait3A_67 = tpu.memref_squeeze %dma_wait3A_66 : memref<1x80xi32, #tpu.memory_space<vmem>> -> memref<80xi32, #tpu.memory_space<vmem>>
    %dma_wait3A_68 = arith.constant 0 : i32
    %dma_wait3A_69 = tpu.memref_slice %arg7[%dma_wait3A_68] : memref<10240xf32, #tpu.memory_space<vmem_shared>> -> memref<10240xf32, #tpu.memory_space<vmem_shared>>
    tpu.wait_indirect_dma semaphore(%arg8 : memref<!tpu.dma_semaphore, #tpu.memory_space<semaphore_mem>>) src(%arg5 : memref<80xf32, #tpu.memory_space<vmem>>) dst(%dma_wait3A_69 : memref<10240xf32, #tpu.memory_space<vmem_shared>>)
    %barrier3A_70 = arith.constant 0 : index
    tpu.barrier barrier_id(%barrier3A_70)
    %mul3A_71 = arith.constant 640 : i32
    %mul3A_72 = arith.muli %arg1, %mul3A_71 : i32
    %mul3A_73 = arith.constant 640 : i32
    %mul3A_74 = arith.muli %arg1, %mul3A_73 : i32
    "tpu.region"() ({
      %run_scoped3A = tpu.sem_alloc : memref<!tpu.dma_semaphore, #tpu.memory_space<semaphore_mem>>
      %dma_start3A_75 = tpu.memref_slice %arg3[%arg0, %mul3A_74] : memref<2x10240xf32, #tpu.memory_space<hbm>> -> memref<1x640xf32, #tpu.memory_space<hbm>>
      %dma_start3A_76 = tpu.memref_squeeze %dma_start3A_75 : memref<1x640xf32, #tpu.memory_space<hbm>> -> memref<640xf32, #tpu.memory_space<hbm>>
      %dma_start3A_77 = tpu.memref_slice %arg7[%mul3A_72] : memref<10240xf32, #tpu.memory_space<vmem_shared>> -> memref<640xf32, #tpu.memory_space<vmem_shared>>
      tpu.enqueue_dma source(%dma_start3A_77 : memref<640xf32, #tpu.memory_space<vmem_shared>>) target(%dma_start3A_76 : memref<640xf32, #tpu.memory_space<hbm>>) target_semaphore(%run_scoped3A : memref<!tpu.dma_semaphore, #tpu.memory_space<semaphore_mem>>)
      %dma_wait3A_78 = tpu.memref_slice %arg3[%arg0, %mul3A_74] : memref<2x10240xf32, #tpu.memory_space<hbm>> -> memref<1x640xf32, #tpu.memory_space<hbm>>
      %dma_wait3A_79 = tpu.memref_squeeze %dma_wait3A_78 : memref<1x640xf32, #tpu.memory_space<hbm>> -> memref<640xf32, #tpu.memory_space<hbm>>
      %dma_wait3A_80 = tpu.memref_slice %arg7[%mul3A_72] : memref<10240xf32, #tpu.memory_space<vmem_shared>> -> memref<640xf32, #tpu.memory_space<vmem_shared>>
      tpu.wait_dma2 semaphore(%run_scoped3A : memref<!tpu.dma_semaphore, #tpu.memory_space<semaphore_mem>>) src(%dma_wait3A_80 : memref<640xf32, #tpu.memory_space<vmem_shared>>) dst(%dma_wait3A_79 : memref<640xf32, #tpu.memory_space<hbm>>)
      tpu.yield
    }) : () -> ()
    return
  }
}

module attributes {stable_mosaic.version = 14 : i64} {
  func.func @_final_body(%arg0: i32, %arg1: memref<2x1280x128xf32, #tpu.memory_space<vmem>>, %arg2: memref<1280x128xf32, #tpu.memory_space<vmem>>, %arg3: memref<1x1280xf32, #tpu.memory_space<vmem>>, %arg4: memref<1x128xf32, #tpu.memory_space<vmem>>, %arg5: memref<1280x128xf32, #tpu.memory_space<vmem>>, %arg6: memref<1280x128xf32, #tpu.memory_space<vmem>>) attributes {dimension_semantics = [#tpu.dimension_semantics<arbitrary>], iteration_bounds = array<i64: 8>, scalar_prefetch = 0 : i64, scratch_operands = 0 : i64, tpu.core_type = #tpu.core_type<tc>, window_params = [{transform_indices = @transform_0, window_bounds = array<i64: 2, 1280, 128>}, {transform_indices = @transform_1, window_bounds = array<i64: 1280, 128>}, {transform_indices = @transform_2, window_bounds = array<i64: 1, 1280>}, {pipeline_mode = #tpu.pipeline_mode<synchronous>, transform_indices = @transform_3, window_bounds = array<i64: 1, 128>}, {transform_indices = @transform_4, window_bounds = array<i64: 1280, 128>}, {transform_indices = @transform_5, window_bounds = array<i64: 1280, 128>}]} {
    %get3A = arith.constant 0 : index
    %get3A_0 = arith.constant 0 : index
    %get3A_1 = vector.load %arg3[%get3A, %get3A_0] : memref<1x1280xf32, #tpu.memory_space<vmem>>, vector<1x1280xf32>
    %get3A_2 = vector.shape_cast %get3A_1 : vector<1x1280xf32> to vector<1280xf32>
    %broadcast_in_dim3A = vector.shape_cast %get3A_2 : vector<1280xf32> to vector<1280x1xf32>
    %get3A_3 = arith.constant 0 : index
    %get3A_4 = arith.constant 0 : index
    %get3A_5 = arith.constant 0 : index
    %get3A_6 = vector.load %arg1[%get3A_3, %get3A_4, %get3A_5] : memref<2x1280x128xf32, #tpu.memory_space<vmem>>, vector<1x1280x128xf32>
    %get3A_7 = vector.shape_cast %get3A_6 : vector<1x1280x128xf32> to vector<1280x128xf32>
    %get3A_8 = arith.constant 1 : index
    %get3A_9 = arith.constant 0 : index
    %get3A_10 = arith.constant 0 : index
    %get3A_11 = vector.load %arg1[%get3A_8, %get3A_9, %get3A_10] : memref<2x1280x128xf32, #tpu.memory_space<vmem>>, vector<1x1280x128xf32>
    %get3A_12 = vector.shape_cast %get3A_11 : vector<1x1280x128xf32> to vector<1280x128xf32>
    %add3A = arith.addf %get3A_7, %get3A_12 : vector<1280x128xf32>
    %get3A_13 = arith.constant 0 : index
    %get3A_14 = arith.constant 0 : index
    %get3A_15 = vector.load %arg2[%get3A_13, %get3A_14] : memref<1280x128xf32, #tpu.memory_space<vmem>>, vector<1280x128xf32>
    %add3A_16 = arith.addf %add3A, %get3A_15 : vector<1280x128xf32>
    %mul3A = vector.broadcast %broadcast_in_dim3A : vector<1280x1xf32> to vector<1280x128xf32>
    %mul3A_17 = arith.mulf %add3A_16, %mul3A : vector<1280x128xf32>
    %get3A_18 = arith.constant 0 : index
    %get3A_19 = arith.constant 0 : index
    %get3A_20 = vector.load %arg4[%get3A_18, %get3A_19] : memref<1x128xf32, #tpu.memory_space<vmem>>, vector<1x128xf32>
    %add3A_21 = vector.broadcast %get3A_20 : vector<1x128xf32> to vector<1280x128xf32>
    %add3A_22 = arith.addf %mul3A_17, %add3A_21 : vector<1280x128xf32>
    %max3A = arith.constant 0.000000e+00 : f32
    %max3A_23 = vector.broadcast %max3A : f32 to vector<1280x128xf32>
    %max3A_24 = arith.maximumf %add3A_22, %max3A_23 : vector<1280x128xf32>
    %get3A_25 = arith.constant 0 : index
    %get3A_26 = arith.constant 0 : index
    %get3A_27 = vector.load %arg5[%get3A_25, %get3A_26] : memref<1280x128xf32, #tpu.memory_space<vmem>>, vector<1280x128xf32>
    %add3A_28 = arith.addf %max3A_24, %get3A_27 : vector<1280x128xf32>
    %swap3A = arith.constant 0 : index
    %swap3A_29 = arith.constant 0 : index
    %swap3A_30 = vector.load %arg6[%swap3A, %swap3A_29] : memref<1280x128xf32, #tpu.memory_space<vmem>>, vector<1280x128xf32>
    tpu.vector_store %arg6[%swap3A, %swap3A_29], %add3A_28 {strides = array<i32>} : memref<1280x128xf32, #tpu.memory_space<vmem>>, vector<1280x128xf32>,
    return
  }
  func.func @transform_0(%arg0: i32) -> (i32, i32, i32) {
    %c0_i32 = arith.constant 0 : i32
    %c0_i32_0 = arith.constant 0 : i32
    %c0_i32_1 = arith.constant 0 : i32
    return %c0_i32, %arg0, %c0_i32_0 : i32, i32, i32
  }
  func.func @transform_1(%arg0: i32) -> (i32, i32) {
    %c0_i32 = arith.constant 0 : i32
    %c0_i32_0 = arith.constant 0 : i32
    return %arg0, %c0_i32 : i32, i32
  }
  func.func @transform_2(%arg0: i32) -> (i32, i32) {
    %c0_i32 = arith.constant 0 : i32
    %c0_i32_0 = arith.constant 0 : i32
    return %c0_i32, %arg0 : i32, i32
  }
  func.func @transform_3(%arg0: i32) -> (i32, i32) {
    %c0_i32 = arith.constant 0 : i32
    %c0_i32_0 = arith.constant 0 : i32
    %c0_i32_1 = arith.constant 0 : i32
    return %c0_i32, %c0_i32_0 : i32, i32
  }
  func.func @transform_4(%arg0: i32) -> (i32, i32) {
    %c0_i32 = arith.constant 0 : i32
    %c0_i32_0 = arith.constant 0 : i32
    return %arg0, %c0_i32 : i32, i32
  }
  func.func @transform_5(%arg0: i32) -> (i32, i32) {
    %c0_i32 = arith.constant 0 : i32
    %c0_i32_0 = arith.constant 0 : i32
    return %arg0, %c0_i32 : i32, i32
  }
}

module attributes {stable_mosaic.version = 14 : i64} {
  func.func @_mm_body(%arg0: i32, %arg1: memref<2x1280xf32, #tpu.memory_space<vmem>>, %arg2: memref<1280x128xf32, #tpu.memory_space<vmem>>, %arg3: memref<128x128xf32, #tpu.memory_space<vmem>>, %arg4: memref<1280x128xf32, #tpu.memory_space<vmem>>, %arg5: memref<1x1280xf32, #tpu.memory_space<vmem>>) attributes {dimension_semantics = [#tpu.dimension_semantics<arbitrary>], iteration_bounds = array<i64: 8>, scalar_prefetch = 0 : i64, scratch_operands = 0 : i64, tpu.core_type = #tpu.core_type<tc>, window_params = [{transform_indices = @transform_0, window_bounds = array<i64: 2, 1280>}, {transform_indices = @transform_1, window_bounds = array<i64: 1280, 128>}, {pipeline_mode = #tpu.pipeline_mode<synchronous>, transform_indices = @transform_2, window_bounds = array<i64: 128, 128>}, {transform_indices = @transform_3, window_bounds = array<i64: 1280, 128>}, {transform_indices = @transform_4, window_bounds = array<i64: 1, 1280>}]} {
    %get3A = arith.constant 0 : index
    %get3A_0 = arith.constant 0 : index
    %get3A_1 = vector.load %arg1[%get3A, %get3A_0] : memref<2x1280xf32, #tpu.memory_space<vmem>>, vector<1x1280xf32>
    %get3A_2 = vector.shape_cast %get3A_1 : vector<1x1280xf32> to vector<1280xf32>
    %get3A_3 = arith.constant 1 : index
    %get3A_4 = arith.constant 0 : index
    %get3A_5 = vector.load %arg1[%get3A_3, %get3A_4] : memref<2x1280xf32, #tpu.memory_space<vmem>>, vector<1x1280xf32>
    %get3A_6 = vector.shape_cast %get3A_5 : vector<1x1280xf32> to vector<1280xf32>
    %add3A = arith.addf %get3A_2, %get3A_6 : vector<1280xf32>
    %add3A_7 = arith.constant 1.000000e+00 : f32
    %add3A_8 = vector.broadcast %add3A_7 : f32 to vector<1280xf32>
    %add3A_9 = arith.addf %add3A, %add3A_8 : vector<1280xf32>
    %rsqrt3A = math.rsqrt %add3A_9 : vector<1280xf32>
    %broadcast_in_dim3A = vector.shape_cast %rsqrt3A : vector<1280xf32> to vector<1x1280xf32>
    %swap3A = arith.constant 0 : index
    %swap3A_10 = arith.constant 0 : index
    %swap3A_11 = vector.load %arg5[%swap3A, %swap3A_10] : memref<1x1280xf32, #tpu.memory_space<vmem>>, vector<1x1280xf32>
    tpu.vector_store %arg5[%swap3A, %swap3A_10], %broadcast_in_dim3A {strides = array<i32>} : memref<1x1280xf32, #tpu.memory_space<vmem>>, vector<1x1280xf32>,
    %get3A_12 = arith.constant 0 : index
    %get3A_13 = arith.constant 0 : index
    %get3A_14 = vector.load %arg2[%get3A_12, %get3A_13] : memref<1280x128xf32, #tpu.memory_space<vmem>>, vector<1280x128xf32>
    %get3A_15 = arith.constant 0 : index
    %get3A_16 = arith.constant 0 : index
    %get3A_17 = vector.load %arg3[%get3A_15, %get3A_16] : memref<128x128xf32, #tpu.memory_space<vmem>>, vector<128x128xf32>
    %dot_general3A = arith.constant dense<0.000000e+00> : vector<1280x128xf32>
    %dot_general3A_18 = tpu.matmul %get3A_14, %get3A_17, %dot_general3A {dimension_numbers = #tpu.dot_dimension_numbers<[1], [0], [0], [1], [0, 0, 1, 1], [], []>, transpose_lhs_hint = false} : vector<1280x128xf32>, vector<128x128xf32>, vector<1280x128xf32> -> vector<1280x128xf32>
    %broadcast_in_dim3A_19 = vector.shape_cast %rsqrt3A : vector<1280xf32> to vector<1280x1xf32>
    %mul3A = vector.broadcast %broadcast_in_dim3A_19 : vector<1280x1xf32> to vector<1280x128xf32>
    %mul3A_20 = arith.mulf %dot_general3A_18, %mul3A : vector<1280x128xf32>
    %swap3A_21 = arith.constant 0 : index
    %swap3A_22 = arith.constant 0 : index
    %swap3A_23 = vector.load %arg4[%swap3A_21, %swap3A_22] : memref<1280x128xf32, #tpu.memory_space<vmem>>, vector<1280x128xf32>
    tpu.vector_store %arg4[%swap3A_21, %swap3A_22], %mul3A_20 {strides = array<i32>} : memref<1280x128xf32, #tpu.memory_space<vmem>>, vector<1280x128xf32>,
    return
  }
  func.func @transform_0(%arg0: i32) -> (i32, i32) {
    %c0_i32 = arith.constant 0 : i32
    %c0_i32_0 = arith.constant 0 : i32
    return %c0_i32, %arg0 : i32, i32
  }
  func.func @transform_1(%arg0: i32) -> (i32, i32) {
    %c0_i32 = arith.constant 0 : i32
    %c0_i32_0 = arith.constant 0 : i32
    return %arg0, %c0_i32 : i32, i32
  }
  func.func @transform_2(%arg0: i32) -> (i32, i32) {
    %c0_i32 = arith.constant 0 : i32
    %c0_i32_0 = arith.constant 0 : i32
    %c0_i32_1 = arith.constant 0 : i32
    return %c0_i32, %c0_i32_0 : i32, i32
  }
  func.func @transform_3(%arg0: i32) -> (i32, i32) {
    %c0_i32 = arith.constant 0 : i32
    %c0_i32_0 = arith.constant 0 : i32
    return %arg0, %c0_i32 : i32, i32
  }
  func.func @transform_4(%arg0: i32) -> (i32, i32) {
    %c0_i32 = arith.constant 0 : i32
    %c0_i32_0 = arith.constant 0 : i32
    return %c0_i32, %arg0 : i32, i32
  }
}

</mosaic_0001>

<sc_bundles>
// kernel: kernel.6.cloned.1.call-start
scs
__scs_entry_jumppad:
0x0: {  	(pc) =	sbr.rel $0x88, $3  }
0x1: {  	(tag) =	ssettag $0x0;
	lr =	simm.s32 $0x1  }
0x2: {  	[smem:$0x3F9D] =	sst lr;
	_ =	strace $0xD0000000  }
0x3: {  	_ = 	snop  }
0x4: {  	_ = 	snop  }
0x5: {  	_ = 	snop  }
0x6: {  	_ = 	snop  }
0x7: {  	_ = 	snop  }
__scs_overlays_trampoline_lowered:
0x8: {  	[smem:$0x3FAC] =	sst s0  }
0x9: {  	[smem:$0x3FAD] =	sst s1  }
0xa: {  	[smem:$0x3FAE] =	sst s2  }
0xb: {  	[smem:$0x3FAF] =	sst s3  }
0xc: {  	[smem:$0x3FB0] =	sst s4  }
0xd: {  	[smem:$0x3FB1] =	sst s5  }
0xe: {  	[smem:$0x3FB2] =	sst s6  }
0xf: {  	[smem:$0x3FB3] =	sst s7  }
0x10: {  	[smem:$0x3FB4] =	sst s8  }
0x11: {  	[smem:$0x3FB5] =	sst s9;
	s0 =	simm.s32 @!p0 $0x0  }
0x12: {  	s1 =	sld [smem:$0x3F9B];
	s0 =	simm.s32 @p0 $0x1  }
0x13: {  	[smem:$0x3FB6] =	sst s0;
	s0 =	simm.s32 @!p1 $0x0  }
0x14: {  	s2 =	sld [smem:$0x3F9A];
	s0 =	simm.s32 @p1 $0x1  }
0x15: {  	[smem:$0x3FB7] =	sst s0;
	s0 =	simm.s32 @!p2 $0x0  }
0x16: {  	s3 =	sld [smem:$0x3FDB];
	s0 =	simm.s32 @p2 $0x1  }
0x17: {  	s4 =	simm.s32 $0x1BF5;
	[smem:$0x3FB9] =	sst s0  }
0x18: {  	s0 =	sld [smem:$0x3F9C];
	_ =	swait.ge [sflag:s4], $0x0  }
0x19: {  	s7 =	sld [smem:$0x3F9D]  }
0x1a: {  	s8 =	sadd.s32 $0xFFFFE003, lr  }
0x1b: {  	s9 =	sadd.s32 $0xFFFFFEF7, lr;
	s5 =	simm.s32 $0xFFFFFFFF;
	p2 =	slt.u32 s8, $0xFFFFF086  }
0x1c: {  	p1 =	slt.u32 s9, $0xF7A;
	s5 =	simm.s32 @!p2 $0x0  }
0x1d: {  	s5 =	simm.s32 @p1 $0x1;
	p0 =	seq.s32 s7, s2  }
0x1e: {  	s7 =	smul.u32 @!p0 $0xF7A, s2;
	p2 =	seq.s32 @!p0 s5, $0x0  }
0x1f: {  	s9 =	smul.u32 $0xF7A, s1;
	s8 =	simm.s32 @!p0 $0x1BF5;
	p2 =	por !p2, p0  }
0x20: {  	[sflag:s8] =	ssyncset.s32 @!p0 $0xFFFFF086;
	s6 =	sadd.s32 @!p0 s3, s7;
	s7 =	simm.s32 @!p0 $0x108  }
0x21: {  	s3 =	sadd.s32 s3, s9;
	s6 =	sadd.s32 @!p0 $0x88, s6;
	s7 =	simm.s32 @p2 $0x1082  }
0x22: {  	[simem:s7], [sflag:s8] =	dma.local @!p0 [hbm:s6], $0xF7A  }
0x23: {  	s9 =	sor.u32 $0xD0000000, s2;
	s6 =	simm.s32 $0x108;
	_ =	swait.ge @!p0 [sflag:s8], $0x0  }
0x24: {  	s3 =	sadd.s32 $0x88, s3;
	s6 =	simm.s32 @!p1 $0x1082;
	[sflag:s4] =	ssyncset.s32 $0xFFFFF086  }
0x25: {  	[simem:s6], [sflag:s4] =	dma.local [hbm:s3], $0xF7A  }
0x26: {  	[smem:$0x3F9D] =	sst s1;
	(tag) =	ssettag s2;
	_ =	strace s9  }
0x27: {  	s1 =	sld [smem:$0x3FAD]  }
0x28: {  	s2 =	sld [smem:$0x3FAE]  }
0x29: {  	s4 =	sld [smem:$0x3FB0]  }
0x2a: {  	p0 =	seq.s32 s5, $0x0;
	s5 =	sld [smem:$0x3FB1]  }
0x2b: {  	s6 =	sld [smem:$0x3FB2]  }
0x2c: {  	s7 =	sld [smem:$0x3FB3]  }
0x2d: {  	s3 =	simm.s32 $0x108;
	s8 =	sld [smem:$0x3FB4]  }
0x2e: {  	s3 =	simm.s32 @!p0 $0x1082;
	s9 =	sld [smem:$0x3FB5]  }
0x2f: {  	lr =	sadd.s32 s0, s3;
	s0 =	sld [smem:$0x3FAC]  }
0x30: {  	s3 =	sld [smem:$0x3FAF]  }
0x31: {  	[smem:$0x3FB8] =	sst s10  }
0x32: {  	s10 =	sld [smem:$0x3FB6];
	_ =	sdelay $0x3  }
0x33: {  	p0 =	seq.s32 s10, $0x1;
	s10 =	sld [smem:$0x3FB8];
	_ =	sdelay $0x3  }
0x34: {  	[smem:$0x3FB8] =	sst s10  }
0x35: {  	s10 =	sld [smem:$0x3FB7];
	_ =	sdelay $0x3  }
0x36: {  	p1 =	seq.s32 s10, $0x1;
	s10 =	sld [smem:$0x3FB8];
	_ =	sdelay $0x3  }
0x37: {  	[smem:$0x3FB8] =	sst s10  }
0x38: {  	s10 =	sld [smem:$0x3FB9]  }
0x39: {  	_ = 	snop;
	(pc) =	sbr.ind lr, $3  }
0x3a: {  	_ = 	snop  }
0x3b: {  	_ = 	snop  }
0x3c: {  	p2 =	seq.s32 s10, $0x1;
	s10 =	sld [smem:$0x3FB8]  }
0x3d: {  	_ =	shalt  }
0x3e: {  	_ =	shalt  }
0x3f: {  	_ =	shalt  }
0x40: {  	_ =	shalt  }
0x41: {  	_ =	shalt  }
0x42: {  	_ =	shalt  }
0x43: {  	_ =	shalt  }
0x44: {  	_ =	shalt  }
0x45: {  	_ =	shalt  }
0x46: {  	_ =	shalt  }
0x47: {  	_ =	shalt  }
0x48: {  	_ =	shalt  }
0x49: {  	_ =	shalt  }
0x4a: {  	_ =	shalt  }
0x4b: {  	_ =	shalt  }
0x4c: {  	_ =	shalt  }
0x4d: {  	_ =	shalt  }
0x4e: {  	_ =	shalt  }
0x4f: {  	_ =	shalt  }
0x50: {  	_ =	shalt  }
0x51: {  	_ =	shalt  }
0x52: {  	_ =	shalt  }
0x53: {  	_ =	shalt  }
0x54: {  	_ =	shalt  }
0x55: {  	_ =	shalt  }
0x56: {  	_ =	shalt  }
0x57: {  	_ =	shalt  }
0x58: {  	_ =	shalt  }
0x59: {  	_ =	shalt  }
0x5a: {  	_ =	shalt  }
0x5b: {  	_ =	shalt  }
0x5c: {  	_ =	shalt  }
0x5d: {  	_ =	shalt  }
0x5e: {  	_ =	shalt  }
0x5f: {  	_ =	shalt  }
0x60: {  	_ =	shalt  }
0x61: {  	_ =	shalt  }
0x62: {  	_ =	shalt  }
0x63: {  	_ =	shalt  }
0x64: {  	_ =	shalt  }
0x65: {  	_ =	shalt  }
0x66: {  	_ =	shalt  }
0x67: {  	_ =	shalt  }
0x68: {  	_ =	shalt  }
0x69: {  	_ =	shalt  }
0x6a: {  	_ =	shalt  }
0x6b: {  	_ =	shalt  }
0x6c: {  	_ =	shalt  }
0x6d: {  	_ =	shalt  }
0x6e: {  	_ =	shalt  }
0x6f: {  	_ =	shalt  }
0x70: {  	_ =	shalt  }
0x71: {  	_ =	shalt  }
0x72: {  	_ =	shalt  }
0x73: {  	_ =	shalt  }
0x74: {  	_ =	shalt  }
0x75: {  	_ =	shalt  }
0x76: {  	_ =	shalt  }
0x77: {  	_ =	shalt  }
0x78: {  	_ =	shalt  }
0x79: {  	_ =	shalt  }
0x7a: {  	_ =	shalt  }
0x7b: {  	_ =	shalt  }
0x7c: {  	_ =	shalt  }
0x7d: {  	_ =	shalt  }
0x7e: {  	_ =	shalt  }
0x7f: {  	_ =	shalt  }
0x80: {  	_ =	shalt  }
0x81: {  	_ =	shalt  }
0x82: {  	_ =	shalt  }
0x83: {  	_ =	shalt  }
0x84: {  	_ =	shalt  }
0x85: {  	_ =	shalt  }
0x86: {  	_ =	shalt  }
0x87: {  	_ =	shalt  }
.Lfunc_end0:
.L_simem_size_0:
called_computation_lowered:
.L_overlay_start_0:
0x88: {  	s2 =	sld [smem:$0x3FD9]  }
0x89: {  	s3 =	sld [smem:$0x3FFE];
	_ =	sdelay $0x1  }
0x8a: {  	s1 =	srdreg.scid  }
0x8b: {  	s0 =	sand.u32 $0x1, s1  }
0x8c: {  	s17 =	sshll.u32 s0, $0xA;
	s2 =	sadd.s32 s3, s2  }
0x8d: {  	s2 =	sadd.s32 s2, s17  }
0x8e: {  	[smem:$0x3FC4] =	sst s2  }
0x8f: {  	_ = 	snop  }
0x90: {  	s2 =	sld [smem:$0x3FD0];
	(tm) =	ssettm $0x1  }
0x91: {  	s18 =	sld [smem:$0x3FFB];
	_ =	sdelay $0x3  }
0x92: {  	_ =	strace s18  }
0x93: {  	s3 =	sld [smem:$0x3FFC];
	_ =	sdelay $0x3  }
0x94: {  	_ =	strace s3  }
0x95: {  	s3 =	sld [smem:$0x3FFD];
	_ =	sdelay $0x3  }
0x96: {  	_ =	strace s3  }
0x97: {  	_ =	strace $0x8FFFFFFF  }
0x98: {  	s19 =	sld [smem:$0x3FDB];
	_ =	sdelay $0x1  }
0x99: {  	s4 =	simm.s32 $_scs_section_size  }
0x9a: {  	s5 =	simm.s32 $_size__tile_overlayer_lowered;
	s6 =	simm.s32 $_tile_overlayer_lowered  }
0x9b: {  	s22 =	simm.s32 $0x1BFF;
	s21 =	sshll.u32 s6, $0x1;
	s3 =	sadd.s32 s4, s19  }
0x9c: {  	s7 =	simm.s32 $0x0;
	s20 =	sshll.u32 s5, $0x1;
	s5 =	sadd.s32 s21, s3  }
0x9d: {  	[timem:s7], [sflag:s22] =	dma.local [hbm:s5], s20  }
0x9e: {  	_ =	swait.ge [sflag:s22], s20  }
0x9f: {  	s4 =	ssub.s32 $0x0, s20;
	[sflag:s22] =	ssyncset.done $0x0  }
0xa0: {  	[sflag:s22] =	ssyncadd.s32 s4;
	_ =	sdelay $0x1  }
0xa1: {  	s23 =	simm.s32 $0x1B8B  }
0xa2: {  	_ =	swait.ge [sflag:s23], $0x1  }
0xa3: {  	[sflag:s23] =	ssyncset.done $0x0  }
0xa4: {  	s25 =	simm.s32 $0x1B8E;
	s24 =	sld [smem:$0x3FFE];
	[sflag:s23] =	ssyncadd.s32 $0xFFFFFFFF  }
0xa5: {  	s26 =	simm.s32 $execute0_lowered;
	[smem:$0x3FD2] =	sst s25  }
0xa6: {  	s5 =	sshll.u32 s26, $0x1;
	_ =	strace $0x80000046;
	[dreg:$0x1] =	wrdreg $0xFFFFFFFF  }
0xa7: {  	s28 =	simm.s32 $_size_execute0_lowered;
	s3 =	sadd.s32 s3, s5;
	[dreg:$0x0] =	wrdreg $0x0  }
0xa8: {  	s5 =	sshll.u32 s28, $0x1;
	[dreg:$0x2] =	wrdreg s3  }
0xa9: {  	[dreg:$0x3] =	wrdreg s5  }
0xaa: {  	[dreg:$0x4] =	wrdreg $0xC0  }
0xab: {  	_ =	task [dreg:s7], $0x5FFFF  }
0xac: {  	[dreg:$0x1] =	wrdreg $0xFFFFFFFF  }
0xad: {  	[dreg:$0x0] =	wrdreg $0x60  }
0xae: {  	[dreg:$0x2] =	wrdreg s24  }
0xaf: {  	[dreg:$0x3] =	wrdreg s2  }
0xb0: {  	[dreg:$0x4] =	wrdreg $0x43000  }
0xb1: {  	[dreg:$0x5] =	wrdreg $0x9  }
0xb2: {  	_ =	task.clear_ibuf [dreg:s7], $0x6FFFF;
	_ =	strace $0x90000046  }
0xb3: {  	s29 =	simm.s32 $0x9;
	_ =	strace $0x80000048  }
0xb4: {  	_ =	swait.ge [sflag:s29], $0x1  }
0xb5: {  	[sflag:s29] =	ssyncadd.s32 $0xFFFFFFFF  }
0xb6: {  	_ =	strace $0x90000048  }
0xb7: {  	_ =	sfence  }
0xb8: {  	s30 =	sld [smem:$0x0];
	_ =	sdelay $0x2  }
0xb9: {  	s31 =	sshll.u32 s1, $0xD;
	s1 =	sshrl.u32 s1, $0x2  }
0xba: {  	s3 =	sand.u32 $0x4000, s31;
	s1 =	sadd.s32 s1, s30  }
0xbb: {  	s0 =	sor.u32 s3, s0;
	s1 =	sshll.u32 s1, $0x11  }
0xbc: {  	s0 =	sor.u32 s1, s0  }
0xbd: {  	s0 =	sadd.s32 $0x8F2B, s0  }
0xbe: {  	[sflag:s0] =	ssyncadd.remote.s32 $0x1  }
0xbf: {  	_ =	sfence.sel $0xFFFF  }
0xc0: {  	[dreg:$0x0] =	wrdreg $0xFFFFFFFF;
	(pc) =	sbr.abs _section_cstart, $3  }
0xc1: {  	[dreg:$0x1] =	wrdreg $0xFFFFFFFF  }
0xc2: {  	_ =	task.clear_ibuf [dreg:s7], $0x2FFFF;
	_ =	strace $0x9FFFFFFF  }
0xc3: {  	(tm) =	ssettm $0x7FFFFFFF  }
tec
execute0_lowered:
.L_overlay_start_1:
0x0: {  	(tag) =	ssettag $0x1  }
0x1: {  	s4 =	rddreg [dreg:$0x0]  }
0x2: {  	s6 =	rddreg [dreg:$0x1]  }
0x3: {  	s1 =	rddreg [dreg:$0x2]  }
0x4: {  	s0 =	rddreg [dreg:$0x3];
	s3 =	simm.s32 $0x0;
	s5 =	srdreg.scid  }
0x5: {  	s2 =	stileid.u32;
	s12 =	simm.s32 $0x4000;
	s13 =	simm.s32 $0x2  }
0x6: {  	s16 =	simm.s32 $0x20;
	s17 =	simm.s32 $0x10;
	s18 =	simm.s32 $0x0  }
0x7: {  	[smem:$0x7FF] =	sst s3;
	s5 =	sand.u32 $0x1, s5;
	s9 =	smul.u32 $0x500, s2  }
0x8: {  	s7 =	sshll.u32 s2, $0xB;
	s11 =	smul.u32 $0xA00, s2;
	s14 =	sshll.u32 s2, $0x6  }
0x9: {  	_ =	strace $0x80000047;
	s8 =	ssub.s32 $0x2, s5;
	s4 =	sadd.s32 s7, s4  }
0xa: {  	s10 =	sshll.u32 s5, $0xF;
	s5 =	sshll.u32 s5, $0x7;
	s14 =	sor.u32 $0x1C03, s14  }
0xb: {  	s30 =	sshrl.u32 s8, $0x1;
	s4 =	sadd.s32 s10, s4;
	s5 =	sor.u32 s5, s9  }
0xc: {  	s31 =	sshrl.u32 s11, $0x2;
	s10 =	simm.s32 $0x3;
	s11 =	simm.s32 $0x50  }
0xd: {  	s7 =	ssub.s32 s8, s30;
	s4 =	sadd.s32 $0x12000, s4;
	s9 =	sshrl.u32 s5, $0x3  }
0xe: {  	s5 =	sadd.s32 s31, s1;
	s8 =	simm.s32 $0x1;
	s6 =	sadd.s32 s6, s9  }
0xf: {  	v0 =	vimm.f32 $0.0e+00;
	v1 =	vimm.f32 $1.000000000e+00;
	s7 =	smax.u32 s7, $0x1;
	s9 =	simm.s32 $0x4080;
	s15 =	sshrl.u32 s5, $0x3  }
.LBB2_1:
0x10: {  	[tilespmem:s3], [sflag:$0x1] =	stream.linear.gather [hbm4b:s4+s3], $0x3E80, $0x38;
	[tilespmem:$0x4580] =	vst v63  }
0x11: {  	_ =	swait.ge [sflag:s8], $0x3E80  }
0x12: {  	[sflag:s8] =	ssyncset.done $0x0  }
0x13: {  	[sflag:s8] =	ssyncadd.s32 $0xFFFFC180  }
0x14: {  	[tilespmem:$0x4080] =	vst v0  }
0x15: {  	[tilespmem:$0x4090] =	vst v0  }
0x16: {  	[tilespmem:$0x40A0] =	vst v0  }
0x17: {  	[tilespmem:$0x40B0] =	vst v0  }
0x18: {  	[tilespmem:$0x40C0] =	vst v0  }
0x19: {  	[tilespmem:$0x40D0] =	vst v0  }
0x1a: {  	[tilespmem:$0x40E0] =	vst v0  }
0x1b: {  	[tilespmem:$0x40F0] =	vst v0  }
0x1c: {  	[tilespmem:$0x4100] =	vst v0  }
0x1d: {  	[tilespmem:$0x4110] =	vst v0  }
0x1e: {  	[tilespmem:$0x4120] =	vst v0  }
0x1f: {  	[tilespmem:$0x4130] =	vst v0  }
0x20: {  	[tilespmem:$0x4140] =	vst v0  }
0x21: {  	[tilespmem:$0x4150] =	vst v0  }
0x22: {  	[tilespmem:$0x4160] =	vst v0  }
0x23: {  	[tilespmem:$0x4170] =	vst v0  }
0x24: {  	[tilespmem:$0x4180] =	vst v0  }
0x25: {  	[tilespmem:$0x4190] =	vst v0  }
0x26: {  	[tilespmem:$0x41A0] =	vst v0  }
0x27: {  	[tilespmem:$0x41B0] =	vst v0  }
0x28: {  	[tilespmem:$0x41C0] =	vst v0  }
0x29: {  	[tilespmem:$0x41D0] =	vst v0  }
0x2a: {  	[tilespmem:$0x41E0] =	vst v0  }
0x2b: {  	[tilespmem:$0x41F0] =	vst v0  }
0x2c: {  	[tilespmem:$0x4200] =	vst v0  }
0x2d: {  	[tilespmem:$0x4210] =	vst v0  }
0x2e: {  	[tilespmem:$0x4220] =	vst v0  }
0x2f: {  	[tilespmem:$0x4230] =	vst v0  }
0x30: {  	[tilespmem:$0x4240] =	vst v0  }
0x31: {  	[tilespmem:$0x4250] =	vst v0  }
0x32: {  	[tilespmem:$0x4260] =	vst v0  }
0x33: {  	[tilespmem:$0x4270] =	vst v0  }
0x34: {  	[tilespmem:$0x4280] =	vst v0  }
0x35: {  	[tilespmem:$0x4290] =	vst v0  }
0x36: {  	[tilespmem:$0x42A0] =	vst v0  }
0x37: {  	[tilespmem:$0x42B0] =	vst v0  }
0x38: {  	[tilespmem:$0x42C0] =	vst v0  }
0x39: {  	[tilespmem:$0x42D0] =	vst v0  }
0x3a: {  	[tilespmem:$0x42E0] =	vst v0  }
0x3b: {  	[tilespmem:$0x42F0] =	vst v0  }
0x3c: {  	[spmem:s5] =	stream.linear.scatter [tilespmem:s9], [sflag:$0x3], $0x280, $0x38;
	[tilespmem:$0x4580] =	vst v63  }
0x3d: {  	_ =	swait.ge [sflag:s10], $0x280  }
0x3e: {  	[sflag:s10] =	ssyncset.done $0x0  }
0x3f: {  	[sflag:s10] =	ssyncadd.s32 $0xFFFFFD80  }
0x40: {  	[tilespmem:$0x4000] =	vst v1  }
0x41: {  	[tilespmem:$0x4010] =	vst v1  }
0x42: {  	[tilespmem:$0x4020] =	vst v1  }
0x43: {  	[tilespmem:$0x4030] =	vst v1  }
0x44: {  	[tilespmem:$0x4040] =	vst v1  }
0x45: {  	[bflag:$0x0] =	sbarrier.arrive $0xFFFF  }
0x46: {  	[spmem:s1] =	stream.indirect.scatter.add.f32 [tilespmem:s12], [sflag:$0x1], $0x1, s3, s11, $0xb8;
	[tilespmem:$0x4580] =	vst v63  }
0x47: {  	s19 =	simm.s32 $0x80  }
0x48: {  	[spmem:s1] =	stream.indirect.scatter.add.f32 [tilespmem:s12], [sflag:$0x2], $0x1, s19, s11, $0xb8;
	[tilespmem:$0x4580] =	vst v63  }
0x49: {  	_ =	swait.ge [sflag:s8], $0x50  }
0x4a: {  	[sflag:s8] =	ssyncset.done $0x0  }
0x4b: {  	s31 =	simm.s32 $0x100;
	[sflag:s8] =	ssyncadd.s32 $0xFFFFFFB0  }
0x4c: {  	[spmem:s1] =	stream.indirect.scatter.add.f32 [tilespmem:s12], [sflag:$0x1], $0x1, s31, s11, $0xb8;
	[tilespmem:$0x4580] =	vst v63  }
0x4d: {  	_ =	swait.ge [sflag:s13], $0x50  }
0x4e: {  	s20 =	simm.s32 $0xFFFF1000;
	s19 =	simm.s32 $0xFFFFC300;
	[sflag:s13] =	ssyncset.done $0x0  }
.LBB2_2:
0x4f: {  	s21 =	sadd.s32 $0x3E80, s19  }
0x50: {  	[sflag:s13] =	ssyncadd.s32 $0xFFFFFFB0;
	s22 =	smov.u32 s20;
	s23 =	sadd.s32 $0x400, s20  }
0x51: {  	[spmem:s1] =	stream.indirect.scatter.add.f32 [tilespmem:s12], [sflag:$0x2], $0x1, s21, s11, $0xb8;
	[tilespmem:$0x4580] =	vst v63  }
0x52: {  	p0 =	sne.s32 s20, $0xFFFFFC00;
	_ =	swait.ge [sflag:s8], $0x50  }
.Ltmp0:
0x53: {  	[sflag:s8] =	ssyncset.done $0x0;
	(pc) =	sbr.rel @p0 .LBB2_2-.Ltmp0, $4  }
0x54: {  	s19 =	sadd.s32 $0x3F00, s19;
	[sflag:s8] =	ssyncadd.s32 $0xFFFFFFB0  }
0x55: {  	[spmem:s1] =	stream.indirect.scatter.add.f32 [tilespmem:s12], [sflag:$0x1], $0x1, s19, s11, $0xb8;
	[tilespmem:$0x4580] =	vst v63  }
0x56: {  	_ =	swait.ge [sflag:s13], $0x50  }
0x57: {  	s20 =	smov.u32 s23;
	s19 =	sshra.s32 s22, $0x2;
	[sflag:s13] =	ssyncset.done $0x0  }
0x58: {  	s20 =	sadd.s32 $0x3E80, s19;
	[sflag:s13] =	ssyncadd.s32 $0xFFFFFFB0  }
0x59: {  	[spmem:s1] =	stream.indirect.scatter.add.f32 [tilespmem:s12], [sflag:$0x2], $0x1, s20, s11, $0xb8;
	[tilespmem:$0x4580] =	vst v63  }
0x5a: {  	_ =	swait.ge [sflag:s8], $0x50  }
0x5b: {  	[sflag:s8] =	ssyncset.done $0x0  }
0x5c: {  	s31 =	sadd.s32 $0x3F00, s19;
	[sflag:s8] =	ssyncadd.s32 $0xFFFFFFB0  }
0x5d: {  	[spmem:s1] =	stream.indirect.scatter.add.f32 [tilespmem:s12], [sflag:$0x1], $0x1, s31, s11, $0xb8;
	[tilespmem:$0x4580] =	vst v63  }
0x5e: {  	_ =	swait.ge [sflag:s13], $0x50  }
0x5f: {  	[sflag:s13] =	ssyncset.done $0x0  }
0x60: {  	[sflag:s13] =	ssyncadd.s32 $0xFFFFFFB0  }
0x61: {  	_ =	swait.ge [sflag:s8], $0x50  }
0x62: {  	s18 =	sadd.s32 $0x1, s18;
	[sflag:s8] =	ssyncset.done $0x0  }
0x63: {  	p0 =	sne.s32 s18, s7;
	[sflag:s8] =	ssyncadd.s32 $0xFFFFFFB0  }
.Ltmp1:
0x64: {  	[bflag:$0x0] =	sbarrier.arrive $0xFFFF;
	(pc) =	sbr.rel @p0 .LBB2_1-.Ltmp1, $4  }
0x65: {  	[hbm:s6@s16], [sflag:s14] =	dma.strided [spmem:s15@s17], $0x50, s8, $0x10   }
0x66: {  	_ =	swait.ge [sflag:s10], $0x50  }
0x67: {  	[sflag:s10] =	ssyncset.done $0x0  }
0x68: {  	[sflag:s10] =	ssyncadd.s32 $0xFFFFFFB0  }
0x69: {  	_ =	sfence.sel $0x180000  }
0x6a: {  	[bflag:$0x0] =	sbarrier.arrive $0xFFFF  }
0x6b: {  	p0 =	sne.s32 s2, $0x0;
	_ =	strace $0x90000047  }
0x6c: {  	s0 =	sadd.s32 @!p0 $0x100000, s0;
	[bflag:$0x2] =	sbarrier.arrive $0xFFFF  }
0x6d: {  	[sflag:s0] =	ssyncadd.tile.s32 @!p0 $0x1;
	_ =	shalt  }
.Lfunc_end2:
_tile_overlayer_lowered:
.L_overlay_start_2:
0x6e: {  	(tag) =	ssettag $0x2  }
0x6f: {  	s0 =	rddreg [dreg:$0x0];
	s2 =	stileid.u32  }
0x70: {  	s1 =	rddreg [dreg:$0x1];
	p0 =	sne.s32 s2, $0x0  }
0x71: {  	s3 =	rddreg [dreg:$0x2];
	[bflag:$0x3] =	sbarrier.arrive $0xFFFF;
	s2 =	simm.s32 @!p0 $0x1C03  }
0x72: {  	[timem:s3], [sflag:s2] =	dma.local @!p0 [hbm:s0], s1  }
0x73: {  	s0 =	simm.s32 @!p0 $0x3  }
0x74: {  	_ =	swait.ge @!p0 [sflag:s0], s1  }
0x75: {  	s1 =	ssub.s32 @!p0 $0x0, s1;
	[sflag:s0] =	ssyncset.done @!p0 $0x0  }
0x76: {  	[sflag:s0] =	ssyncadd.s32 @!p0 s1  }
0x77: {  	[bflag:$0x3] =	sbarrier.arrive $0xFFFF  }
0x78: {  	_ =	shalt  }

// kernel: kernel.9.cloned.1.call-start
scs
__scs_entry_jumppad:
0x0: {  	(pc) =	sbr.rel $0x88, $3  }
0x1: {  	(tag) =	ssettag $0x0;
	lr =	simm.s32 $0x1  }
0x2: {  	[smem:$0x3F9D] =	sst lr;
	_ =	strace $0xD0000000  }
0x3: {  	_ = 	snop  }
0x4: {  	_ = 	snop  }
0x5: {  	_ = 	snop  }
0x6: {  	_ = 	snop  }
0x7: {  	_ = 	snop  }
__scs_overlays_trampoline_lowered:
0x8: {  	[smem:$0x3FAC] =	sst s0  }
0x9: {  	[smem:$0x3FAD] =	sst s1  }
0xa: {  	[smem:$0x3FAE] =	sst s2  }
0xb: {  	[smem:$0x3FAF] =	sst s3  }
0xc: {  	[smem:$0x3FB0] =	sst s4  }
0xd: {  	[smem:$0x3FB1] =	sst s5  }
0xe: {  	[smem:$0x3FB2] =	sst s6  }
0xf: {  	[smem:$0x3FB3] =	sst s7  }
0x10: {  	[smem:$0x3FB4] =	sst s8  }
0x11: {  	[smem:$0x3FB5] =	sst s9;
	s0 =	simm.s32 @!p0 $0x0  }
0x12: {  	s1 =	sld [smem:$0x3F9B];
	s0 =	simm.s32 @p0 $0x1  }
0x13: {  	[smem:$0x3FB6] =	sst s0;
	s0 =	simm.s32 @!p1 $0x0  }
0x14: {  	s2 =	sld [smem:$0x3F9A];
	s0 =	simm.s32 @p1 $0x1  }
0x15: {  	[smem:$0x3FB7] =	sst s0;
	s0 =	simm.s32 @!p2 $0x0  }
0x16: {  	s3 =	sld [smem:$0x3FDB];
	s0 =	simm.s32 @p2 $0x1  }
0x17: {  	s4 =	simm.s32 $0x1BF5;
	[smem:$0x3FB9] =	sst s0  }
0x18: {  	s0 =	sld [smem:$0x3F9C];
	_ =	swait.ge [sflag:s4], $0x0  }
0x19: {  	s7 =	sld [smem:$0x3F9D]  }
0x1a: {  	s8 =	sadd.s32 $0xFFFFE003, lr  }
0x1b: {  	s9 =	sadd.s32 $0xFFFFFEF7, lr;
	s5 =	simm.s32 $0xFFFFFFFF;
	p2 =	slt.u32 s8, $0xFFFFF086  }
0x1c: {  	p1 =	slt.u32 s9, $0xF7A;
	s5 =	simm.s32 @!p2 $0x0  }
0x1d: {  	s5 =	simm.s32 @p1 $0x1;
	p0 =	seq.s32 s7, s2  }
0x1e: {  	s7 =	smul.u32 @!p0 $0xF7A, s2;
	p2 =	seq.s32 @!p0 s5, $0x0  }
0x1f: {  	s9 =	smul.u32 $0xF7A, s1;
	s8 =	simm.s32 @!p0 $0x1BF5;
	p2 =	por !p2, p0  }
0x20: {  	[sflag:s8] =	ssyncset.s32 @!p0 $0xFFFFF086;
	s6 =	sadd.s32 @!p0 s3, s7;
	s7 =	simm.s32 @!p0 $0x108  }
0x21: {  	s3 =	sadd.s32 s3, s9;
	s6 =	sadd.s32 @!p0 $0x88, s6;
	s7 =	simm.s32 @p2 $0x1082  }
0x22: {  	[simem:s7], [sflag:s8] =	dma.local @!p0 [hbm:s6], $0xF7A  }
0x23: {  	s9 =	sor.u32 $0xD0000000, s2;
	s6 =	simm.s32 $0x108;
	_ =	swait.ge @!p0 [sflag:s8], $0x0  }
0x24: {  	s3 =	sadd.s32 $0x88, s3;
	s6 =	simm.s32 @!p1 $0x1082;
	[sflag:s4] =	ssyncset.s32 $0xFFFFF086  }
0x25: {  	[simem:s6], [sflag:s4] =	dma.local [hbm:s3], $0xF7A  }
0x26: {  	[smem:$0x3F9D] =	sst s1;
	(tag) =	ssettag s2;
	_ =	strace s9  }
0x27: {  	s1 =	sld [smem:$0x3FAD]  }
0x28: {  	s2 =	sld [smem:$0x3FAE]  }
0x29: {  	s4 =	sld [smem:$0x3FB0]  }
0x2a: {  	p0 =	seq.s32 s5, $0x0;
	s5 =	sld [smem:$0x3FB1]  }
0x2b: {  	s6 =	sld [smem:$0x3FB2]  }
0x2c: {  	s7 =	sld [smem:$0x3FB3]  }
0x2d: {  	s3 =	simm.s32 $0x108;
	s8 =	sld [smem:$0x3FB4]  }
0x2e: {  	s3 =	simm.s32 @!p0 $0x1082;
	s9 =	sld [smem:$0x3FB5]  }
0x2f: {  	lr =	sadd.s32 s0, s3;
	s0 =	sld [smem:$0x3FAC]  }
0x30: {  	s3 =	sld [smem:$0x3FAF]  }
0x31: {  	[smem:$0x3FB8] =	sst s10  }
0x32: {  	s10 =	sld [smem:$0x3FB6];
	_ =	sdelay $0x3  }
0x33: {  	p0 =	seq.s32 s10, $0x1;
	s10 =	sld [smem:$0x3FB8];
	_ =	sdelay $0x3  }
0x34: {  	[smem:$0x3FB8] =	sst s10  }
0x35: {  	s10 =	sld [smem:$0x3FB7];
	_ =	sdelay $0x3  }
0x36: {  	p1 =	seq.s32 s10, $0x1;
	s10 =	sld [smem:$0x3FB8];
	_ =	sdelay $0x3  }
0x37: {  	[smem:$0x3FB8] =	sst s10  }
0x38: {  	s10 =	sld [smem:$0x3FB9]  }
0x39: {  	_ = 	snop;
	(pc) =	sbr.ind lr, $3  }
0x3a: {  	_ = 	snop  }
0x3b: {  	_ = 	snop  }
0x3c: {  	p2 =	seq.s32 s10, $0x1;
	s10 =	sld [smem:$0x3FB8]  }
0x3d: {  	_ =	shalt  }
0x3e: {  	_ =	shalt  }
0x3f: {  	_ =	shalt  }
0x40: {  	_ =	shalt  }
0x41: {  	_ =	shalt  }
0x42: {  	_ =	shalt  }
0x43: {  	_ =	shalt  }
0x44: {  	_ =	shalt  }
0x45: {  	_ =	shalt  }
0x46: {  	_ =	shalt  }
0x47: {  	_ =	shalt  }
0x48: {  	_ =	shalt  }
0x49: {  	_ =	shalt  }
0x4a: {  	_ =	shalt  }
0x4b: {  	_ =	shalt  }
0x4c: {  	_ =	shalt  }
0x4d: {  	_ =	shalt  }
0x4e: {  	_ =	shalt  }
0x4f: {  	_ =	shalt  }
0x50: {  	_ =	shalt  }
0x51: {  	_ =	shalt  }
0x52: {  	_ =	shalt  }
0x53: {  	_ =	shalt  }
0x54: {  	_ =	shalt  }
0x55: {  	_ =	shalt  }
0x56: {  	_ =	shalt  }
0x57: {  	_ =	shalt  }
0x58: {  	_ =	shalt  }
0x59: {  	_ =	shalt  }
0x5a: {  	_ =	shalt  }
0x5b: {  	_ =	shalt  }
0x5c: {  	_ =	shalt  }
0x5d: {  	_ =	shalt  }
0x5e: {  	_ =	shalt  }
0x5f: {  	_ =	shalt  }
0x60: {  	_ =	shalt  }
0x61: {  	_ =	shalt  }
0x62: {  	_ =	shalt  }
0x63: {  	_ =	shalt  }
0x64: {  	_ =	shalt  }
0x65: {  	_ =	shalt  }
0x66: {  	_ =	shalt  }
0x67: {  	_ =	shalt  }
0x68: {  	_ =	shalt  }
0x69: {  	_ =	shalt  }
0x6a: {  	_ =	shalt  }
0x6b: {  	_ =	shalt  }
0x6c: {  	_ =	shalt  }
0x6d: {  	_ =	shalt  }
0x6e: {  	_ =	shalt  }
0x6f: {  	_ =	shalt  }
0x70: {  	_ =	shalt  }
0x71: {  	_ =	shalt  }
0x72: {  	_ =	shalt  }
0x73: {  	_ =	shalt  }
0x74: {  	_ =	shalt  }
0x75: {  	_ =	shalt  }
0x76: {  	_ =	shalt  }
0x77: {  	_ =	shalt  }
0x78: {  	_ =	shalt  }
0x79: {  	_ =	shalt  }
0x7a: {  	_ =	shalt  }
0x7b: {  	_ =	shalt  }
0x7c: {  	_ =	shalt  }
0x7d: {  	_ =	shalt  }
0x7e: {  	_ =	shalt  }
0x7f: {  	_ =	shalt  }
0x80: {  	_ =	shalt  }
0x81: {  	_ =	shalt  }
0x82: {  	_ =	shalt  }
0x83: {  	_ =	shalt  }
0x84: {  	_ =	shalt  }
0x85: {  	_ =	shalt  }
0x86: {  	_ =	shalt  }
0x87: {  	_ =	shalt  }
.Lfunc_end0:
.L_simem_size_0:
called_computation.1_lowered:
.L_overlay_start_0:
0x88: {  	s2 =	sld [smem:$0x3FD9]  }
0x89: {  	s3 =	sld [smem:$0x3FFE];
	_ =	sdelay $0x1  }
0x8a: {  	s1 =	srdreg.scid  }
0x8b: {  	s0 =	sand.u32 $0x1, s1  }
0x8c: {  	s17 =	sshll.u32 s0, $0xA;
	s2 =	sadd.s32 s3, s2  }
0x8d: {  	s2 =	sadd.s32 s2, s17  }
0x8e: {  	[smem:$0x3FC4] =	sst s2  }
0x8f: {  	_ = 	snop  }
0x90: {  	s2 =	sld [smem:$0x3FD0];
	(tm) =	ssettm $0x1  }
0x91: {  	s18 =	sld [smem:$0x3FFB];
	_ =	sdelay $0x3  }
0x92: {  	_ =	strace s18  }
0x93: {  	s3 =	sld [smem:$0x3FFC];
	_ =	sdelay $0x3  }
0x94: {  	_ =	strace s3  }
0x95: {  	s3 =	sld [smem:$0x3FFD];
	_ =	sdelay $0x3  }
0x96: {  	_ =	strace s3  }
0x97: {  	_ =	strace $0x8FFFFFFF  }
0x98: {  	s19 =	sld [smem:$0x3FDB];
	_ =	sdelay $0x1  }
0x99: {  	s4 =	simm.s32 $_scs_section_size  }
0x9a: {  	s5 =	simm.s32 $_size__tile_overlayer_lowered;
	s6 =	simm.s32 $_tile_overlayer_lowered  }
0x9b: {  	s22 =	simm.s32 $0x1BFF;
	s21 =	sshll.u32 s6, $0x1;
	s3 =	sadd.s32 s4, s19  }
0x9c: {  	s7 =	simm.s32 $0x0;
	s20 =	sshll.u32 s5, $0x1;
	s5 =	sadd.s32 s21, s3  }
0x9d: {  	[timem:s7], [sflag:s22] =	dma.local [hbm:s5], s20  }
0x9e: {  	_ =	swait.ge [sflag:s22], s20  }
0x9f: {  	s4 =	ssub.s32 $0x0, s20;
	[sflag:s22] =	ssyncset.done $0x0  }
0xa0: {  	[sflag:s22] =	ssyncadd.s32 s4;
	_ =	sdelay $0x1  }
0xa1: {  	s23 =	simm.s32 $0x1B8B  }
0xa2: {  	_ =	swait.ge [sflag:s23], $0x1  }
0xa3: {  	[sflag:s23] =	ssyncset.done $0x0  }
0xa4: {  	s25 =	simm.s32 $0x1B8E;
	s24 =	sld [smem:$0x3FFE];
	[sflag:s23] =	ssyncadd.s32 $0xFFFFFFFF  }
0xa5: {  	s26 =	simm.s32 $execute0_lowered;
	[smem:$0x3FD2] =	sst s25  }
0xa6: {  	s5 =	sshll.u32 s26, $0x1;
	_ =	strace $0x80000049;
	[dreg:$0x1] =	wrdreg $0xFFFFFFFF  }
0xa7: {  	s28 =	simm.s32 $_size_execute0_lowered;
	s3 =	sadd.s32 s3, s5;
	[dreg:$0x0] =	wrdreg $0x0  }
0xa8: {  	s5 =	sshll.u32 s28, $0x1;
	[dreg:$0x2] =	wrdreg s3  }
0xa9: {  	[dreg:$0x3] =	wrdreg s5  }
0xaa: {  	[dreg:$0x4] =	wrdreg $0xC0  }
0xab: {  	_ =	task [dreg:s7], $0x5FFFF  }
0xac: {  	[dreg:$0x1] =	wrdreg $0xFFFFFFFF  }
0xad: {  	[dreg:$0x0] =	wrdreg $0x60  }
0xae: {  	[dreg:$0x2] =	wrdreg s2  }
0xaf: {  	[dreg:$0x3] =	wrdreg s24  }
0xb0: {  	[dreg:$0x4] =	wrdreg $0xB7800  }
0xb1: {  	[dreg:$0x5] =	wrdreg $0x9  }
0xb2: {  	_ =	task.clear_ibuf [dreg:s7], $0x6FFFF;
	_ =	strace $0x90000049  }
0xb3: {  	s29 =	simm.s32 $0x9;
	_ =	strace $0x8000004B  }
0xb4: {  	_ =	swait.ge [sflag:s29], $0x1  }
0xb5: {  	[sflag:s29] =	ssyncadd.s32 $0xFFFFFFFF  }
0xb6: {  	_ =	strace $0x9000004B  }
0xb7: {  	_ =	sfence  }
0xb8: {  	s30 =	sld [smem:$0x0];
	_ =	sdelay $0x2  }
0xb9: {  	s31 =	sshll.u32 s1, $0xD;
	s1 =	sshrl.u32 s1, $0x2  }
0xba: {  	s3 =	sand.u32 $0x4000, s31;
	s1 =	sadd.s32 s1, s30  }
0xbb: {  	s0 =	sor.u32 s3, s0;
	s1 =	sshll.u32 s1, $0x11  }
0xbc: {  	s0 =	sor.u32 s1, s0  }
0xbd: {  	s0 =	sadd.s32 $0x8F2B, s0  }
0xbe: {  	[sflag:s0] =	ssyncadd.remote.s32 $0x1  }
0xbf: {  	_ =	sfence.sel $0xFFFF  }
0xc0: {  	[dreg:$0x0] =	wrdreg $0xFFFFFFFF;
	(pc) =	sbr.abs _section_cstart, $3  }
0xc1: {  	[dreg:$0x1] =	wrdreg $0xFFFFFFFF  }
0xc2: {  	_ =	task.clear_ibuf [dreg:s7], $0x2FFFF;
	_ =	strace $0x9FFFFFFF  }
0xc3: {  	(tm) =	ssettm $0x7FFFFFFF  }
tec
execute0_lowered:
.L_overlay_start_1:
0x0: {  	(tag) =	ssettag $0x1  }
0x1: {  	s1 =	rddreg [dreg:$0x0]  }
0x2: {  	s0 =	srdreg.scid;
	s5 =	rddreg [dreg:$0x1]  }
0x3: {  	s9 =	stileid.u32;
	s3 =	rddreg [dreg:$0x2];
	s19 =	simm.s32 $0x2780  }
0x4: {  	s20 =	simm.s32 $0x6780;
	s21 =	simm.s32 $0x8F80;
	s22 =	simm.s32 $0x4  }
0x5: {  	s23 =	simm.s32 $0x5;
	s24 =	simm.s32 $0x1;
	s25 =	simm.s32 $0x50  }
0x6: {  	s26 =	simm.s32 $0x2;
	s28 =	simm.s32 $0x3;
	s31 =	simm.s32 $0x6580  }
0x7: {  	s0 =	sand.u32 $0x1, s0;
	s7 =	sshll.u32 s9, $0x7;
	s8 =	smul.u32 $0x14000, s9  }
0x8: {  	s2 =	sshll.u32 s0, $0x4;
	s7 =	sand.u32 $0x380, s7;
	s29 =	smul.u32 $0x140000, s0  }
0x9: {  	s0 =	ssub.s32 $0x2, s0;
	s2 =	sor.u32 s9, s2;
	s9 =	smul.u32 $0x50000, s9  }
0xa: {  	s30 =	sshrl.u32 s0, $0x1;
	s4 =	sshrl.u32 s2, $0x3;
	s2 =	sshll.u32 s2, $0xB  }
0xb: {  	s0 =	ssub.s32 s0, s30;
	s6 =	smul.u32 $0x13C00, s4;
	s4 =	simm.s32 $0x0  }
0xc: {  	s2 =	sadd.s32 s2, s5;
	s9 =	sshrl.u32 s9, $0x2;
	s16 =	smax.u32 s0, $0x1  }
0xd: {  	s0 =	simm.s32 $0x0;
	s6 =	sor.u32 s7, s6;
	s7 =	sadd.s32 s8, s29  }
0xe: {  	[smem:$0x7FF] =	sst s4;
	s6 =	sshrl.u32 s6, $0x3;
	s7 =	sshrl.u32 s7, $0x3  }
0xf: {  	_ =	strace $0x8000004A;
	s6 =	sadd.s32 s6, s5;
	s15 =	sadd.s32 s7, s5  }
0x10: {  	s5 =	sadd.s32 s9, s3;
	s7 =	sadd.s32 $0x12000, s2;
	s2 =	simm.s32 $0x6  }
0x11: {  	s6 =	sadd.s32 $0x22000, s6;
	s8 =	sadd.s32 $0x2800, s5;
	s9 =	sadd.s32 $0x5000, s5  }
0x12: {  	s10 =	sadd.s32 $0x7800, s5;
	s11 =	sadd.s32 $0xA000, s5;
	s12 =	sadd.s32 $0xC800, s5  }
0x13: {  	v0 =	vimm.f32 $0.0e+00;
	s13 =	sadd.s32 $0xF000, s5;
	s14 =	sadd.s32 $0x11800, s5;
	s15 =	sadd.s32 $0x35C00, s15  }
.LBB2_1:
0x14: {  	s17 =	simm.s32 $0x80;
	s18 =	simm.s32 $0x400  }
0x15: {  	[tilespmem:s4], [sflag:$0x1] =	stream.strided.gather [hbm4b:s6+s17], $0x2780, s18, s17, $0x38;
	[tilespmem:$0x1F780] =	vst v63  }
0x16: {  	s17 =	simm.s32 $0x0;
	s18 =	simm.s32 $0x200  }
0x17: {  	[tilespmem:s19], [sflag:$0x1] =	stream.linear.gather [hbm4b:s7+s4], $0x3E80, $0x38;
	[tilespmem:$0x1F780] =	vst v63  }
.LBB2_2:
0x18: {  	p0 =	sne.s32 s18, $0x9E00;
	[tilespmem:s17+$0x8FF0] =	vst v0  }
0x19: {  	[tilespmem:s17+$0x6780] =	vst v0  }
0x1a: {  	[tilespmem:s17+$0x8F80] =	vst v0  }
0x1b: {  	[tilespmem:s17+$0x6790] =	vst v0  }
0x1c: {  	[tilespmem:s17+$0x8F90] =	vst v0  }
0x1d: {  	[tilespmem:s17+$0x67A0] =	vst v0  }
0x1e: {  	[tilespmem:s17+$0x8FA0] =	vst v0  }
0x1f: {  	[tilespmem:s17+$0x67B0] =	vst v0  }
0x20: {  	[tilespmem:s17+$0x8FB0] =	vst v0  }
0x21: {  	[tilespmem:s17+$0x67C0] =	vst v0  }
0x22: {  	[tilespmem:s17+$0x8FC0] =	vst v0  }
.Ltmp0:
0x23: {  	[tilespmem:s17+$0x67D0] =	vst v0;
	(pc) =	sbr.rel @p0 .LBB2_2-.Ltmp0, $4  }
0x24: {  	[tilespmem:s17+$0x8FD0] =	vst v0  }
0x25: {  	[tilespmem:s17+$0x67E0] =	vst v0  }
0x26: {  	[tilespmem:s17+$0x8FE0] =	vst v0  }
0x27: {  	[tilespmem:s17+$0x67F0] =	vst v0;
	s17 =	sshra.s32 s18, $0x2;
	s18 =	sadd.s32 $0x200, s18  }
0x28: {  	[tilespmem:s17+$0x8FF0] =	vst v0  }
0x29: {  	[tilespmem:s17+$0x6780] =	vst v0  }
0x2a: {  	[tilespmem:s17+$0x8F80] =	vst v0  }
0x2b: {  	[tilespmem:s17+$0x6790] =	vst v0  }
0x2c: {  	[tilespmem:s17+$0x8F90] =	vst v0  }
0x2d: {  	[tilespmem:s17+$0x67A0] =	vst v0  }
0x2e: {  	[tilespmem:s17+$0x8FA0] =	vst v0  }
0x2f: {  	[tilespmem:s17+$0x67B0] =	vst v0  }
0x30: {  	[tilespmem:s17+$0x8FB0] =	vst v0  }
0x31: {  	[tilespmem:s17+$0x67C0] =	vst v0  }
0x32: {  	[tilespmem:s17+$0x8FC0] =	vst v0  }
0x33: {  	[tilespmem:s17+$0x67D0] =	vst v0  }
0x34: {  	[tilespmem:s17+$0x8FD0] =	vst v0  }
0x35: {  	[tilespmem:s17+$0x67E0] =	vst v0  }
0x36: {  	[tilespmem:s17+$0x8FE0] =	vst v0  }
0x37: {  	[tilespmem:s17+$0x67F0] =	vst v0  }
0x38: {  	[spmem:s5] =	stream.linear.scatter [tilespmem:s20], [sflag:$0x4], $0x2800, $0x38;
	[tilespmem:$0x1F780] =	vst v63  }
0x39: {  	_ = 	snop  }
0x3a: {  	[spmem:s8] =	stream.linear.scatter [tilespmem:s21], [sflag:$0x5], $0x2800, $0x38;
	[tilespmem:$0x1F780] =	vst v63  }
0x3b: {  	_ = 	snop  }
0x3c: {  	[spmem:s9] =	stream.linear.scatter [tilespmem:s20], [sflag:$0x4], $0x2800, $0x38;
	[tilespmem:$0x1F780] =	vst v63  }
0x3d: {  	_ = 	snop  }
0x3e: {  	[spmem:s10] =	stream.linear.scatter [tilespmem:s21], [sflag:$0x5], $0x2800, $0x38;
	[tilespmem:$0x1F780] =	vst v63  }
0x3f: {  	_ = 	snop  }
0x40: {  	[spmem:s11] =	stream.linear.scatter [tilespmem:s20], [sflag:$0x4], $0x2800, $0x38;
	[tilespmem:$0x1F780] =	vst v63  }
0x41: {  	_ = 	snop  }
0x42: {  	[spmem:s12] =	stream.linear.scatter [tilespmem:s21], [sflag:$0x5], $0x2800, $0x38;
	[tilespmem:$0x1F780] =	vst v63  }
0x43: {  	_ = 	snop  }
0x44: {  	[spmem:s13] =	stream.linear.scatter [tilespmem:s20], [sflag:$0x4], $0x2800, $0x38;
	[tilespmem:$0x1F780] =	vst v63  }
0x45: {  	_ = 	snop  }
0x46: {  	[spmem:s14] =	stream.linear.scatter [tilespmem:s21], [sflag:$0x5], $0x2800, $0x38;
	[tilespmem:$0x1F780] =	vst v63  }
0x47: {  	_ =	swait.ge [sflag:s22], $0x2800  }
0x48: {  	[sflag:s22] =	ssyncset.done $0x0  }
0x49: {  	[sflag:s22] =	ssyncadd.s32 $0xFFFFD800  }
0x4a: {  	_ =	swait.ge [sflag:s23], $0x2800  }
0x4b: {  	[sflag:s23] =	ssyncset.done $0x0  }
0x4c: {  	[sflag:s23] =	ssyncadd.s32 $0xFFFFD800  }
0x4d: {  	_ =	swait.ge [sflag:s22], $0x2800  }
0x4e: {  	[sflag:s22] =	ssyncset.done $0x0  }
0x4f: {  	[sflag:s22] =	ssyncadd.s32 $0xFFFFD800  }
0x50: {  	_ =	swait.ge [sflag:s23], $0x2800  }
0x51: {  	[sflag:s23] =	ssyncset.done $0x0  }
0x52: {  	[sflag:s23] =	ssyncadd.s32 $0xFFFFD800  }
0x53: {  	_ =	swait.ge [sflag:s22], $0x2800  }
0x54: {  	[sflag:s22] =	ssyncset.done $0x0  }
0x55: {  	[sflag:s22] =	ssyncadd.s32 $0xFFFFD800  }
0x56: {  	_ =	swait.ge [sflag:s23], $0x2800  }
0x57: {  	[sflag:s23] =	ssyncset.done $0x0  }
0x58: {  	[sflag:s23] =	ssyncadd.s32 $0xFFFFD800  }
0x59: {  	_ =	swait.ge [sflag:s22], $0x2800  }
0x5a: {  	[sflag:s22] =	ssyncset.done $0x0  }
0x5b: {  	[sflag:s22] =	ssyncadd.s32 $0xFFFFD800  }
0x5c: {  	_ =	swait.ge [sflag:s23], $0x2800  }
0x5d: {  	[sflag:s23] =	ssyncset.done $0x0  }
0x5e: {  	[sflag:s23] =	ssyncadd.s32 $0xFFFFD800  }
0x5f: {  	_ =	swait.ge [sflag:s24], $0x2780  }
0x60: {  	[sflag:s24] =	ssyncset.done $0x0  }
0x61: {  	[sflag:s24] =	ssyncadd.s32 $0xFFFFD880  }
0x62: {  	_ =	swait.ge [sflag:s24], $0x3E80  }
0x63: {  	[sflag:s24] =	ssyncset.done $0x0  }
0x64: {  	[sflag:s24] =	ssyncadd.s32 $0xFFFFC180  }
0x65: {  	[bflag:$0x0] =	sbarrier.arrive $0xFFFF  }
0x66: {  	[tilespmem:s20], [sflag:$0x2] =	stream.indirect.gather [hbm4b:s1+s25], $0x80, s4, s25, $0xb8;
	[tilespmem:$0x1F780] =	vst v63  }
0x67: {  	_ =	swait.ge [sflag:s26], $0x2800  }
0x68: {  	[sflag:s26] =	ssyncset.done $0x0  }
0x69: {  	[sflag:s26] =	ssyncadd.s32 $0xFFFFD800  }
0x6a: {  	[spmem:s3] =	stream.indirect.scatter.add.f32 [tilespmem:s20], [sflag:$0x4], $0x80, s19, s25, $0xb8;
	[tilespmem:$0x1F780] =	vst v63  }
0x6b: {  	_ = 	snop  }
0x6c: {  	[tilespmem:s21], [sflag:$0x3] =	stream.indirect.gather [hbm4b:s1+s25], $0x80, s25, s25, $0xb8;
	[tilespmem:$0x1F780] =	vst v63  }
0x6d: {  	_ =	swait.ge [sflag:s28], $0x2800  }
0x6e: {  	[sflag:s28] =	ssyncset.done $0x0  }
0x6f: {  	s30 =	simm.s32 $0x2800;
	[sflag:s28] =	ssyncadd.s32 $0xFFFFD800  }
0x70: {  	[spmem:s3] =	stream.indirect.scatter.add.f32 [tilespmem:s21], [sflag:$0x5], $0x80, s30, s25, $0xb8;
	[tilespmem:$0x1F780] =	vst v63  }
0x71: {  	_ =	swait.ge [sflag:s22], $0x2800  }
0x72: {  	[sflag:s22] =	ssyncset.done $0x0  }
0x73: {  	s18 =	simm.s32 $0xA0;
	[sflag:s22] =	ssyncadd.s32 $0xFFFFD800  }
0x74: {  	[tilespmem:s20], [sflag:$0x2] =	stream.indirect.gather [hbm4b:s1+s25], $0x80, s18, s25, $0xb8;
	[tilespmem:$0x1F780] =	vst v63  }
0x75: {  	_ =	swait.ge [sflag:s23], $0x2800  }
0x76: {  	[sflag:s23] =	ssyncset.done $0x0  }
0x77: {  	s30 =	simm.s32 $0xF0;
	[sflag:s23] =	ssyncadd.s32 $0xFFFFD800  }
0x78: {  	[tilespmem:s21], [sflag:$0x3] =	stream.indirect.gather [hbm4b:s1+s25], $0x80, s30, s25, $0xb8;
	[tilespmem:$0x1F780] =	vst v63  }
0x79: {  	_ =	swait.ge [sflag:s26], $0x2800  }
0x7a: {  	[sflag:s26] =	ssyncset.done $0x0  }
0x7b: {  	s18 =	simm.s32 $0x2880;
	[sflag:s26] =	ssyncadd.s32 $0xFFFFD800  }
0x7c: {  	[spmem:s3] =	stream.indirect.scatter.add.f32 [tilespmem:s20], [sflag:$0x4], $0x80, s18, s25, $0xb8;
	[tilespmem:$0x1F780] =	vst v63  }
0x7d: {  	_ =	swait.ge [sflag:s28], $0x2800  }
0x7e: {  	[sflag:s28] =	ssyncset.done $0x0  }
0x7f: {  	s30 =	simm.s32 $0x2900;
	[sflag:s28] =	ssyncadd.s32 $0xFFFFD800  }
0x80: {  	[spmem:s3] =	stream.indirect.scatter.add.f32 [tilespmem:s21], [sflag:$0x5], $0x80, s30, s25, $0xb8;
	[tilespmem:$0x1F780] =	vst v63  }
0x81: {  	_ =	swait.ge [sflag:s22], $0x2800  }
0x82: {  	s17 =	simm.s32 $0xFFFF6A00;
	[sflag:s22] =	ssyncset.done $0x0  }
0x83: {  	s29 =	simm.s32 $0x140;
	s18 =	simm.s32 $0x2980;
	[sflag:s22] =	ssyncadd.s32 $0xFFFFD800  }
.LBB2_4:
0x84: {  	[tilespmem:s20], [sflag:$0x2] =	stream.indirect.gather [hbm4b:s1+s25], $0x80, s29, s25, $0xb8;
	[tilespmem:$0x1F780] =	vst v63  }
0x85: {  	s29 =	smov.u32 s17  }
0x86: {  	p0 =	sne.s32 s17, $0xFFFFFD80;
	s17 =	sadd.s32 $0x280, s17;
	_ =	swait.ge [sflag:s23], $0x2800  }
0x87: {  	s29 =	sshra.s32 s29, $0x2;
	[sflag:s23] =	ssyncset.done $0x0  }
0x88: {  	s30 =	sadd.s32 $0x2710, s29;
	[sflag:s23] =	ssyncadd.s32 $0xFFFFD800  }
0x89: {  	[tilespmem:s21], [sflag:$0x3] =	stream.indirect.gather [hbm4b:s1+s25], $0x80, s30, s25, $0xb8;
	[tilespmem:$0x1F780] =	vst v63  }
0x8a: {  	_ =	swait.ge [sflag:s26], $0x2800  }
0x8b: {  	[sflag:s26] =	ssyncset.done $0x0  }
0x8c: {  	[sflag:s26] =	ssyncadd.s32 $0xFFFFD800  }
0x8d: {  	[spmem:s3] =	stream.indirect.scatter.add.f32 [tilespmem:s20], [sflag:$0x4], $0x80, s18, s25, $0xb8;
	[tilespmem:$0x1F780] =	vst v63  }
0x8e: {  	_ =	swait.ge [sflag:s28], $0x2800  }
0x8f: {  	[sflag:s28] =	ssyncset.done $0x0  }
.Ltmp1:
0x90: {  	s30 =	sadd.s32 $0x80, s18;
	[sflag:s28] =	ssyncadd.s32 $0xFFFFD800;
	(pc) =	sbr.rel @p0 .LBB2_4-.Ltmp1, $4  }
0x91: {  	[spmem:s3] =	stream.indirect.scatter.add.f32 [tilespmem:s21], [sflag:$0x5], $0x80, s30, s25, $0xb8;
	[tilespmem:$0x1F780] =	vst v63  }
0x92: {  	_ =	swait.ge [sflag:s22], $0x2800  }
0x93: {  	[sflag:s22] =	ssyncset.done $0x0  }
0x94: {  	s29 =	sadd.s32 $0x2760, s29;
	s18 =	sadd.s32 $0x100, s18;
	[sflag:s22] =	ssyncadd.s32 $0xFFFFD800  }
0x95: {  	[tilespmem:s20], [sflag:$0x2] =	stream.indirect.gather [hbm4b:s1+s25], $0x80, s29, s25, $0xb8;
	[tilespmem:$0x1F780] =	vst v63  }
0x96: {  	_ =	swait.ge [sflag:s26], $0x2800  }
0x97: {  	[sflag:s26] =	ssyncset.done $0x0  }
0x98: {  	[sflag:s26] =	ssyncadd.s32 $0xFFFFD800  }
0x99: {  	[spmem:s3] =	stream.indirect.scatter.add.f32 [tilespmem:s20], [sflag:$0x4], $0x80, s31, s25, $0xb8;
	[tilespmem:$0x1F780] =	vst v63  }
0x9a: {  	_ =	swait.ge [sflag:s23], $0x2800  }
0x9b: {  	[sflag:s23] =	ssyncset.done $0x0  }
0x9c: {  	[sflag:s23] =	ssyncadd.s32 $0xFFFFD800  }
0x9d: {  	s17 =	stileid.u32;
	_ =	swait.ge [sflag:s22], $0x2800  }
0x9e: {  	s18 =	sshrl.u32 s5, $0x3;
	s0 =	sadd.s32 $0x1, s0;
	[sflag:s22] =	ssyncset.done $0x0  }
0x9f: {  	s17 =	sshll.u32 s17, $0x6;
	p0 =	sne.s32 s0, s16;
	[sflag:s22] =	ssyncadd.s32 $0xFFFFD800  }
.Ltmp2:
0xa0: {  	s17 =	sor.u32 $0x1C06, s17;
	[bflag:$0x0] =	sbarrier.arrive $0xFFFF;
	(pc) =	sbr.rel @p0 .LBB2_1-.Ltmp2, $4  }
0xa1: {  	[hbm:s15], [sflag:s17] =	dma.local [spmem:s18], $0x2800  }
0xa2: {  	_ =	swait.ge [sflag:s2], $0x2800  }
0xa3: {  	[sflag:s2] =	ssyncset.done $0x0  }
0xa4: {  	[sflag:s2] =	ssyncadd.s32 $0xFFFFD800  }
0xa5: {  	_ =	sfence.sel $0x180000  }
0xa6: {  	[bflag:$0x0] =	sbarrier.arrive $0xFFFF  }
0xa7: {  	_ =	strace $0x9000004A  }
0xa8: {  	s0 =	stileid.u32;
	[bflag:$0x2] =	sbarrier.arrive $0xFFFF  }
0xa9: {  	p0 =	sne.s32 s0, $0x0;
	s0 =	rddreg [dreg:$0x3]  }
0xaa: {  	s0 =	sadd.s32 @!p0 $0x100000, s0  }
0xab: {  	[sflag:s0] =	ssyncadd.tile.s32 @!p0 $0x1;
	_ =	shalt  }
.Lfunc_end2:
_tile_overlayer_lowered:
.L_overlay_start_2:
0xac: {  	(tag) =	ssettag $0x2  }
0xad: {  	s0 =	rddreg [dreg:$0x0];
	s2 =	stileid.u32  }
0xae: {  	s1 =	rddreg [dreg:$0x1];
	p0 =	sne.s32 s2, $0x0  }
0xaf: {  	s3 =	rddreg [dreg:$0x2];
	[bflag:$0x3] =	sbarrier.arrive $0xFFFF;
	s2 =	simm.s32 @!p0 $0x1C06  }
0xb0: {  	[timem:s3], [sflag:s2] =	dma.local @!p0 [hbm:s0], s1  }
0xb1: {  	s0 =	simm.s32 @!p0 $0x6  }
0xb2: {  	_ =	swait.ge @!p0 [sflag:s0], s1  }
0xb3: {  	s1 =	ssub.s32 @!p0 $0x0, s1;
	[sflag:s0] =	ssyncset.done @!p0 $0x0  }
0xb4: {  	[sflag:s0] =	ssyncadd.s32 @!p0 s1  }
0xb5: {  	[bflag:$0x3] =	sbarrier.arrive $0xFFFF  }
0xb6: {  	_ =	shalt  }

</sc_bundles>
